<compile_context>
chip_gen: v7x
topology: tpu7x:2x2x1
jax: 0.10.2.dev20260603
libtpu: 0.0.44.dev20260713+nightly
codegen_flags: <defaults>
</compile_context>

<pallas_src>
import functools

import jax
import jax.numpy as jnp
from jax import lax
from jax.experimental import pallas as pl
from jax.experimental.pallas import tpu as pltpu
from jax.experimental.pallas import tpu_sc as plsc

N = 10000
D = 128
H = 64
E = 320000
EL = E + N

NP_ = 10240
NB0 = 512
EP = 335872
IDX_ROWS = EP // 128
NBLK = 41
B1 = 256
B3 = 256
NBLK3 = 82
ACC_ROWS = NP_

_prec = jax.lax.Precision.HIGHEST


def _prologue_body(xb, posb, W_in, b_in, W_dst, W_src, attn_W1, attn_b1,
                   pos_W1p, pos_b1, W_lin, vd_o, vsn_o, msg_o):
    h = jax.nn.relu(jnp.dot(xb[...], W_in[...], precision=_prec) + b_in[...])
    u = jnp.dot(jnp.dot(h, W_dst[...], precision=_prec), attn_W1[...],
                precision=_prec) + attn_b1[...]
    v = jnp.dot(jnp.dot(h, W_src[...], precision=_prec), attn_W1[...],
                precision=_prec)
    p1 = jnp.dot(posb[...], pos_W1p[...], precision=_prec)
    vd_o[...] = jnp.concatenate([u, p1 + pos_b1[...]], axis=1)
    vsn_o[...] = -jnp.concatenate([v, p1], axis=1)
    msg_o[...] = jnp.dot(h, W_lin[...], precision=_prec)


def _prologue(x_pad, pos_pad, W_in, b_in, W_dst, W_src, attn_W1, attn_b1,
              pos_W1p, pos_b1, W_lin):
    nblk = NP_ // NB0
    row = pl.BlockSpec((NB0, None), lambda i: (i, 0))
    full = lambda a: pl.BlockSpec(a.shape, lambda i: tuple(0 for _ in a.shape))
    return pl.pallas_call(
        _prologue_body,
        grid=(nblk,),
        in_specs=[pl.BlockSpec((NB0, D), lambda i: (i, 0)),
                  pl.BlockSpec((NB0, 8), lambda i: (i, 0)),
                  full(W_in), full(b_in), full(W_dst), full(W_src),
                  full(attn_W1), full(attn_b1), full(pos_W1p), full(pos_b1),
                  full(W_lin)],
        out_specs=[pl.BlockSpec((NB0, D), lambda i: (i, 0))] * 3,
        out_shape=[jax.ShapeDtypeStruct((NP_, D), jnp.float32)] * 3,
    )(x_pad, pos_pad, W_in, b_in, W_dst, W_src, attn_W1, attn_b1,
      pos_W1p, pos_b1, W_lin)


def _gather_body(dstg, srcg, vd, vsn, msg, e1_o, msg_o,
                 dstb, srcb, e1b, msgb, semA, semB):
    c = lax.axis_index("c")
    s = lax.axis_index("s")
    wid = s * 2 + c
    rows_w = IDX_ROWS // 32
    base_row = wid * rows_w

    def body(i, _):
        r0 = base_row + i * (B1 // 128)
        e0 = r0 * 128
        pltpu.sync_copy(dstg.at[pl.ds(r0, B1 // 128)], dstb)
        pltpu.sync_copy(srcg.at[pl.ds(r0, B1 // 128)], srcb)
        for j in range(B1 // 128):
            pltpu.async_copy(vd.at[dstb.at[j]],
                             e1b.at[pl.ds(j * 128, 128)], semA)
            pltpu.async_copy(msg.at[srcb.at[j]],
                             msgb.at[pl.ds(j * 128, 128)], semB)
        for j in range(B1 // 128):
            pltpu.make_async_copy(vd.at[dstb.at[j]],
                                  e1b.at[pl.ds(j * 128, 128)], semA).wait()
            pltpu.make_async_copy(msg.at[srcb.at[j]],
                                  msgb.at[pl.ds(j * 128, 128)], semB).wait()
        for j in range(B1 // 128):
            pltpu.async_copy(vsn.at[srcb.at[j]],
                             e1b.at[pl.ds(j * 128, 128)], semA, add=True)
        pltpu.sync_copy(msgb, msg_o.at[pl.ds(e0, B1)])
        for j in range(B1 // 128):
            pltpu.make_async_copy(vsn.at[srcb.at[j]],
                                  e1b.at[pl.ds(j * 128, 128)], semA).wait()
        pltpu.sync_copy(e1b, e1_o.at[pl.ds(e0, B1)])
        return 0

    lax.fori_loop(0, NBLK, body, 0)


def _gather(dstg2, srcg2, vd, vsn, msg):
    mesh = plsc.VectorSubcoreMesh(core_axis_name="c", subcore_axis_name="s")
    f = pl.kernel(
        _gather_body,
        out_type=[jax.ShapeDtypeStruct((EP, D), jnp.float32),
                  jax.ShapeDtypeStruct((EP, D), jnp.float32)],
        mesh=mesh,
        scratch_types=[pltpu.VMEM((B1 // 128, 128), jnp.int32),
                       pltpu.VMEM((B1 // 128, 128), jnp.int32),
                       pltpu.VMEM((B1, D), jnp.float32),
                       pltpu.VMEM((B1, D), jnp.float32),
                       pltpu.SemaphoreType.DMA,
                       pltpu.SemaphoreType.DMA],
    )
    return f(dstg2, srcg2, vd, vsn, msg)


def _edge_body(e1_r, msg_r, W2a, b2a, W2p, b2p, pm_o):
    e1 = jax.nn.relu(e1_r[...])
    a = jax.nn.relu(jnp.dot(e1, W2a[...], precision=_prec) + b2a[...])
    dd = jax.nn.relu(jnp.dot(e1, W2p[...], precision=_prec) + b2p[...])
    p = jnp.exp(a)
    m = p * (msg_r[...] + dd)
    pm_o[...] = jnp.stack([p, m])


def _edge_mlp(e1_pre, msg_e, W2a, b2a, W2p, b2p):
    nblk = EP // NB0
    full = lambda a: pl.BlockSpec(a.shape, lambda i: tuple(0 for _ in a.shape))
    return pl.pallas_call(
        _edge_body,
        grid=(nblk,),
        in_specs=[pl.BlockSpec((NB0, D), lambda i: (i, 0)),
                  pl.BlockSpec((NB0, D), lambda i: (i, 0)),
                  full(W2a), full(b2a), full(W2p), full(b2p)],
        out_specs=[pl.BlockSpec((2, NB0, D), lambda i: (0, i, 0))],
        out_shape=[jax.ShapeDtypeStruct((2, EP, D), jnp.float32)],
    )(e1_pre, msg_e, W2a, b2a, W2p, b2p)[0]


def _scatter_body(dsts2, pm, zrows, acc_o, idxb, datab, acc, semA):
    c = lax.axis_index("c")
    s = lax.axis_index("s")
    rows_t = ACC_ROWS // 16
    pltpu.sync_copy(zrows.at[pl.ds(s * rows_t, rows_t)],
                    acc.at[pl.ds(s * rows_t, rows_t)])
    plsc.subcore_barrier()

    irows_t = IDX_ROWS // 16
    ib = B3 // 128

    def body(i, _):
        r0 = s * irows_t + i * ib
        e0 = r0 * 128
        pltpu.sync_copy(dsts2.at[pl.ds(r0, ib)], idxb)
        pltpu.sync_copy(pm.at[c, pl.ds(e0, B3)], datab)
        for j in range(ib):
            pltpu.async_copy(datab.at[pl.ds(j * 128, 128)],
                             acc.at[idxb.at[j]], semA, add=True)
        for j in range(ib):
            pltpu.make_async_copy(datab.at[pl.ds(j * 128, 128)],
                                  acc.at[idxb.at[j]], semA).wait()
        return 0

    lax.fori_loop(0, NBLK3, body, 0)
    plsc.subcore_barrier()
    pltpu.sync_copy(acc.at[pl.ds(s * rows_t, rows_t)],
                    acc_o.at[c, pl.ds(s * rows_t, rows_t)])


def _scatter(dsts2, pm, zrows):
    mesh = plsc.VectorSubcoreMesh(core_axis_name="c", subcore_axis_name="s")
    f = pl.kernel(
        _scatter_body,
        out_type=jax.ShapeDtypeStruct((2, ACC_ROWS, D), jnp.float32),
        mesh=mesh,
        scratch_types=[pltpu.VMEM((B3 // 128, 128), jnp.int32),
                       pltpu.VMEM((B3, D), jnp.float32),
                       pltpu.VMEM_SHARED((ACC_ROWS, D), jnp.float32),
                       pltpu.SemaphoreType.DMA],
    )
    return f(dsts2, pm, zrows)


def _epilogue_body(acc_r, W_out, b_out, out_o):
    den = acc_r[0]
    num = acc_r[1]
    o = num / (den + 1e-16)
    out_o[...] = jax.nn.relu(jnp.dot(o, W_out[...], precision=_prec)
                             + b_out[...])


def _epilogue(accs, W_out, b_out):
    blk = 1024
    nblk = ACC_ROWS // blk
    full = lambda a: pl.BlockSpec(a.shape, lambda i: tuple(0 for _ in a.shape))
    return pl.pallas_call(
        _epilogue_body,
        grid=(nblk,),
        in_specs=[pl.BlockSpec((2, blk, D), lambda i: (0, i, 0)),
                  full(W_out), full(b_out)],
        out_specs=[pl.BlockSpec((blk, D), lambda i: (i, 0))],
        out_shape=[jax.ShapeDtypeStruct((ACC_ROWS, D), jnp.float32)],
    )(accs, W_out, b_out)[0]


def kernel(x, pos, edge_index, W_in, b_in, W_out, b_out, W_lin, W_src, W_dst,
           pos_W1, pos_b1, pos_W2, pos_b2, attn_W1, attn_b1, attn_W2,
           attn_b2):
    idt = edge_index.dtype
    loops = jnp.arange(N, dtype=idt)
    padz = jnp.zeros((EP - EL,), idt)
    src = jnp.concatenate([edge_index[0], loops, padz])
    dstg = jnp.concatenate([edge_index[1], loops, padz])
    dsts = jnp.concatenate([edge_index[1], loops,
                            jnp.full((EP - EL,), N, idt)])
    srcg2 = src.reshape(IDX_ROWS, 128)
    dstg2 = dstg.reshape(IDX_ROWS, 128)
    dsts2 = dsts.reshape(IDX_ROWS, 128)

    x_pad = jnp.zeros((NP_, D), jnp.float32).at[:N].set(x)
    pos_pad = jnp.zeros((NP_, 8), jnp.float32).at[:N, :3].set(pos)
    pos_W1p = jnp.zeros((8, H), jnp.float32).at[:3].set(pos_W1)
    W2a = jnp.concatenate([attn_W2, jnp.zeros((H, D), jnp.float32)], axis=0)
    W2p = jnp.concatenate([jnp.zeros((H, D), jnp.float32), pos_W2], axis=0)

    vd, vsn, msg = _prologue(x_pad, pos_pad, W_in, b_in[None], W_dst, W_src,
                             attn_W1, attn_b1[None], pos_W1p, pos_b1[None],
                             W_lin)
    e1_pre, msg_e = _gather(dstg2, srcg2, vd, vsn, msg)
    pm = _edge_mlp(e1_pre, msg_e, W2a, attn_b2[None], W2p, pos_b2[None])
    accs = _scatter(dsts2, pm, jnp.zeros((ACC_ROWS, D), jnp.float32))
    out = _epilogue(accs, W_out, b_out[None])
    return out[:N]

# --- scband reference (transcript-rebuilt; emitter-appended) ---
"""Pipeline reference for scband-transformer-block-32461362823724 (READ-ONLY COPY).

The authoritative reference and input builder live on the scoring server;
editing this copy changes nothing except your own understanding.
"""

import jax, jax.numpy as jnp
import numpy as np

N = 10000
E = 320000
D = 128
P = 3
H = 64


def _lin_init(key, fi, fo):
    return jax.random.normal(key, (fi, fo), jnp.float32) / np.sqrt(fi)


def setup_inputs(seed: int = 0):
    key = jax.random.key(seed)
    ks = jax.random.split(key, 12)
    inp = {}
    inp["x"] = jax.random.normal(ks[0], (N, D), jnp.float32)
    inp["pos"] = jax.random.normal(ks[1], (N, P), jnp.float32)
    inp["edge_index"] = jax.random.randint(ks[2], (2, E), 0, N, dtype=jnp.int32)
    inp["W_in"] = _lin_init(ks[3], D, D)
    inp["b_in"] = jnp.zeros((D,), jnp.float32)
    inp["W_out"] = _lin_init(ks[4], D, D)
    inp["b_out"] = jnp.zeros((D,), jnp.float32)
    inp["W_lin"] = _lin_init(ks[5], D, D)
    inp["W_src"] = _lin_init(ks[6], D, D)
    inp["W_dst"] = _lin_init(ks[7], D, D)
    inp["pos_W1"] = _lin_init(ks[8], P, H)
    inp["pos_b1"] = jnp.zeros((H,), jnp.float32)
    inp["pos_W2"] = _lin_init(ks[9], H, D)
    inp["pos_b2"] = jnp.zeros((D,), jnp.float32)
    inp["attn_W1"] = _lin_init(ks[10], D, H)
    inp["attn_b1"] = jnp.zeros((H,), jnp.float32)
    inp["attn_W2"] = _lin_init(ks[11], H, D)
    inp["attn_b2"] = jnp.zeros((D,), jnp.float32)
    return inp


def reference(x, pos, edge_index, W_in, b_in, W_out, b_out, W_lin, W_src, W_dst,
              pos_W1, pos_b1, pos_W2, pos_b2, attn_W1, attn_b1, attn_W2, attn_b2):
    # lin_in + relu
    h = jax.nn.relu(x @ W_in + b_in)
    # PointTransformerConv node-level projections
    alpha_src = h @ W_src
    alpha_dst = h @ W_dst
    msg_x = h @ W_lin
    # add self loops (PyG default add_self_loops=True)
    loops = jnp.arange(N, dtype=edge_index.dtype)
    src = jnp.concatenate([edge_index[0], loops])
    dst = jnp.concatenate([edge_index[1], loops])
    # positional encoding: pos_nn(pos_i - pos_j)  (i=dst, j=src)
    delta = pos[dst] - pos[src]
    d = jax.nn.relu(delta @ pos_W1 + pos_b1)
    d = jax.nn.relu(d @ pos_W2 + pos_b2)
    # attention: attn_nn(alpha_i - alpha_j)
    a = alpha_dst[dst] - alpha_src[src]
    a = jax.nn.relu(a @ attn_W1 + attn_b1)
    a = jax.nn.relu(a @ attn_W2 + attn_b2)
    # per-dst segment softmax over edges (channel-wise)
    a_max = jax.ops.segment_max(a, dst, num_segments=N)
    a = jnp.exp(a - a_max[dst])
    a_sum = jax.ops.segment_sum(a, dst, num_segments=N)
    a = a / (a_sum[dst] + 1e-16)
    # message = alpha * (x_j + delta_enc), sum-aggregate to dst
    m = a * (msg_x[src] + d)
    out = jax.ops.segment_sum(m, dst, num_segments=N)
    # lin_out + relu
    return jax.nn.relu(out @ W_out + b_out)

if __name__ == "__main__":
    import jax
    _d = setup_inputs()
    print(jax.jit(kernel)(*tuple(_d.values())))

</pallas_src>

<mosaic_0001>
#map = affine_map<(d0, d1) -> (0, 0)>
module attributes {stable_mosaic.version = 14 : i64} {
  func.func @_gather_body(%arg0: i32, %arg1: i32, %arg2: memref<2624x128xi32, #tpu.memory_space<hbm>>, %arg3: memref<2624x128xi32, #tpu.memory_space<hbm>>, %arg4: memref<10240x128xf32, #tpu.memory_space<hbm>>, %arg5: memref<10240x128xf32, #tpu.memory_space<hbm>>, %arg6: memref<10240x128xf32, #tpu.memory_space<hbm>>, %arg7: memref<335872x128xf32, #tpu.memory_space<hbm>>, %arg8: memref<335872x128xf32, #tpu.memory_space<hbm>>, %arg9: memref<2x128xi32, #tpu.memory_space<vmem>>, %arg10: memref<2x128xi32, #tpu.memory_space<vmem>>, %arg11: memref<256x128xf32, #tpu.memory_space<vmem>>, %arg12: memref<256x128xf32, #tpu.memory_space<vmem>>, %arg13: memref<!tpu.dma_semaphore, #tpu.memory_space<semaphore_mem>>, %arg14: memref<!tpu.dma_semaphore, #tpu.memory_space<semaphore_mem>>) attributes {dimension_semantics = [#tpu.dimension_semantics<core_parallel>, #tpu.dimension_semantics<subcore_parallel>], iteration_bounds = array<i64: 2, 16>, scalar_prefetch = 0 : i64, scratch_operands = 6 : i64, tpu.core_type = #tpu.core_type<sc_vector_subcore>, window_params = [{transform_indices = #map}, {transform_indices = #map}, {transform_indices = #map}, {transform_indices = #map}, {transform_indices = #map}, {transform_indices = #map}, {transform_indices = #map}]} {
    %mul3A = arith.constant 2 : i32
    %mul3A_0 = arith.muli %arg1, %mul3A : i32
    %add3A = arith.addi %mul3A_0, %arg0 : i32
    %mul3A_1 = arith.constant 82 : i32
    %mul3A_2 = arith.muli %add3A, %mul3A_1 : i32
    %scan3A = arith.constant 0 : i32
    %scan3A_3 = arith.constant 0 : i32
    %scan3A_4 = arith.constant 41 : i32
    %scan3A_5 = arith.addi %scan3A_3, %scan3A_4 : i32
    %scan3A_6 = arith.constant 1 : i32
    %scan3A_7 = scf.for %scan3A_9 = %scan3A_3 to %scan3A_5 step %scan3A_6 iter_args(%scan3A_10 = %scan3A) -> (i32)  : i32 {
      %mul3A_11 = arith.constant 2 : i32
      %mul3A_12 = arith.muli %scan3A_9, %mul3A_11 : i32
      %add3A_13 = arith.addi %mul3A_2, %mul3A_12 : i32
      %mul3A_14 = arith.constant 128 : i32
      %mul3A_15 = arith.muli %add3A_13, %mul3A_14 : i32
      "tpu.region"() ({
        %run_scoped3A = tpu.sem_alloc : memref<!tpu.dma_semaphore, #tpu.memory_space<semaphore_mem>>
        %dma_start3A_135 = arith.constant 0 : i32
        %dma_start3A_136 = tpu.memref_slice %arg2[%add3A_13, %dma_start3A_135] : memref<2624x128xi32, #tpu.memory_space<hbm>> -> memref<2x128xi32, #tpu.memory_space<hbm>>
        %dma_start3A_137 = arith.constant 0 : i32
        %dma_start3A_138 = tpu.memref_slice %arg2[%add3A_13, %dma_start3A_137] : memref<2624x128xi32, #tpu.memory_space<hbm>> -> memref<2x128xi32, #tpu.memory_space<hbm>>
        tpu.enqueue_dma source(%dma_start3A_138 : memref<2x128xi32, #tpu.memory_space<hbm>>) target(%arg9 : memref<2x128xi32, #tpu.memory_space<vmem>>) target_semaphore(%run_scoped3A : memref<!tpu.dma_semaphore, #tpu.memory_space<semaphore_mem>>)
        %dma_wait3A_139 = arith.constant 0 : i32
        %dma_wait3A_140 = tpu.memref_slice %arg2[%add3A_13, %dma_wait3A_139] : memref<2624x128xi32, #tpu.memory_space<hbm>> -> memref<2x128xi32, #tpu.memory_space<hbm>>
        %dma_wait3A_141 = arith.constant 0 : i32
        %dma_wait3A_142 = tpu.memref_slice %arg2[%add3A_13, %dma_wait3A_141] : memref<2624x128xi32, #tpu.memory_space<hbm>> -> memref<2x128xi32, #tpu.memory_space<hbm>>
        tpu.wait_dma2 semaphore(%run_scoped3A : memref<!tpu.dma_semaphore, #tpu.memory_space<semaphore_mem>>) src(%dma_wait3A_142 : memref<2x128xi32, #tpu.memory_space<hbm>>) dst(%arg9 : memref<2x128xi32, #tpu.memory_space<vmem>>)
        tpu.yield
      }) : () -> ()
      "tpu.region"() ({
        %run_scoped3A = tpu.sem_alloc : memref<!tpu.dma_semaphore, #tpu.memory_space<semaphore_mem>>
        %dma_start3A_135 = arith.constant 0 : i32
        %dma_start3A_136 = tpu.memref_slice %arg3[%add3A_13, %dma_start3A_135] : memref<2624x128xi32, #tpu.memory_space<hbm>> -> memref<2x128xi32, #tpu.memory_space<hbm>>
        %dma_start3A_137 = arith.constant 0 : i32
        %dma_start3A_138 = tpu.memref_slice %arg3[%add3A_13, %dma_start3A_137] : memref<2624x128xi32, #tpu.memory_space<hbm>> -> memref<2x128xi32, #tpu.memory_space<hbm>>
        tpu.enqueue_dma source(%dma_start3A_138 : memref<2x128xi32, #tpu.memory_space<hbm>>) target(%arg10 : memref<2x128xi32, #tpu.memory_space<vmem>>) target_semaphore(%run_scoped3A : memref<!tpu.dma_semaphore, #tpu.memory_space<semaphore_mem>>)
        %dma_wait3A_139 = arith.constant 0 : i32
        %dma_wait3A_140 = tpu.memref_slice %arg3[%add3A_13, %dma_wait3A_139] : memref<2624x128xi32, #tpu.memory_space<hbm>> -> memref<2x128xi32, #tpu.memory_space<hbm>>
        %dma_wait3A_141 = arith.constant 0 : i32
        %dma_wait3A_142 = tpu.memref_slice %arg3[%add3A_13, %dma_wait3A_141] : memref<2624x128xi32, #tpu.memory_space<hbm>> -> memref<2x128xi32, #tpu.memory_space<hbm>>
        tpu.wait_dma2 semaphore(%run_scoped3A : memref<!tpu.dma_semaphore, #tpu.memory_space<semaphore_mem>>) src(%dma_wait3A_142 : memref<2x128xi32, #tpu.memory_space<hbm>>) dst(%arg10 : memref<2x128xi32, #tpu.memory_space<vmem>>)
        tpu.yield
      }) : () -> ()
      %dma_start3A = arith.constant 0 : i32
      %dma_start3A_16 = arith.constant 0 : i32
      %dma_start3A_17 = arith.constant 0 : i32
      %dma_start3A_18 = tpu.memref_slice %arg11[%dma_start3A_16, %dma_start3A_17] : memref<256x128xf32, #tpu.memory_space<vmem>> -> memref<128x128xf32, #tpu.memory_space<vmem>>
      %dma_start3A_19 = arith.constant 0 : i32
      %dma_start3A_20 = tpu.memref_slice %arg9[%dma_start3A, %dma_start3A_19] : memref<2x128xi32, #tpu.memory_space<vmem>> -> memref<1x128xi32, #tpu.memory_space<vmem>>
      %dma_start3A_21 = tpu.memref_squeeze %dma_start3A_20 : memref<1x128xi32, #tpu.memory_space<vmem>> -> memref<128xi32, #tpu.memory_space<vmem>>
      %dma_start3A_22 = arith.constant 0 : i32
      %dma_start3A_23 = arith.constant 0 : i32
      %dma_start3A_24 = tpu.memref_slice %arg4[%dma_start3A_22, %dma_start3A_23] : memref<10240x128xf32, #tpu.memory_space<hbm>> -> memref<10240x128xf32, #tpu.memory_space<hbm>>
      tpu.enqueue_indirect_dma source(%dma_start3A_24 : memref<10240x128xf32, #tpu.memory_space<hbm>>) target(%dma_start3A_18 : memref<128x128xf32, #tpu.memory_space<vmem>>) offsets(%dma_start3A_21 : memref<128xi32, #tpu.memory_space<vmem>>) semaphore(%arg13 : memref<!tpu.dma_semaphore, #tpu.memory_space<semaphore_mem>>)
      %dma_start3A_25 = arith.constant 0 : i32
      %dma_start3A_26 = arith.constant 0 : i32
      %dma_start3A_27 = arith.constant 0 : i32
      %dma_start3A_28 = tpu.memref_slice %arg12[%dma_start3A_26, %dma_start3A_27] : memref<256x128xf32, #tpu.memory_space<vmem>> -> memref<128x128xf32, #tpu.memory_space<vmem>>
      %dma_start3A_29 = arith.constant 0 : i32
      %dma_start3A_30 = tpu.memref_slice %arg10[%dma_start3A_25, %dma_start3A_29] : memref<2x128xi32, #tpu.memory_space<vmem>> -> memref<1x128xi32, #tpu.memory_space<vmem>>
      %dma_start3A_31 = tpu.memref_squeeze %dma_start3A_30 : memref<1x128xi32, #tpu.memory_space<vmem>> -> memref<128xi32, #tpu.memory_space<vmem>>
      %dma_start3A_32 = arith.constant 0 : i32
      %dma_start3A_33 = arith.constant 0 : i32
      %dma_start3A_34 = tpu.memref_slice %arg6[%dma_start3A_32, %dma_start3A_33] : memref<10240x128xf32, #tpu.memory_space<hbm>> -> memref<10240x128xf32, #tpu.memory_space<hbm>>
      tpu.enqueue_indirect_dma source(%dma_start3A_34 : memref<10240x128xf32, #tpu.memory_space<hbm>>) target(%dma_start3A_28 : memref<128x128xf32, #tpu.memory_space<vmem>>) offsets(%dma_start3A_31 : memref<128xi32, #tpu.memory_space<vmem>>) semaphore(%arg14 : memref<!tpu.dma_semaphore, #tpu.memory_space<semaphore_mem>>)
      %dma_start3A_35 = arith.constant 1 : i32
      %dma_start3A_36 = arith.constant 128 : i32
      %dma_start3A_37 = arith.constant 0 : i32
      %dma_start3A_38 = tpu.memref_slice %arg11[%dma_start3A_36, %dma_start3A_37] : memref<256x128xf32, #tpu.memory_space<vmem>> -> memref<128x128xf32, #tpu.memory_space<vmem>>
      %dma_start3A_39 = arith.constant 0 : i32
      %dma_start3A_40 = tpu.memref_slice %arg9[%dma_start3A_35, %dma_start3A_39] : memref<2x128xi32, #tpu.memory_space<vmem>> -> memref<1x128xi32, #tpu.memory_space<vmem>>
      %dma_start3A_41 = tpu.memref_squeeze %dma_start3A_40 : memref<1x128xi32, #tpu.memory_space<vmem>> -> memref<128xi32, #tpu.memory_space<vmem>>
      %dma_start3A_42 = arith.constant 0 : i32
      %dma_start3A_43 = arith.constant 0 : i32
      %dma_start3A_44 = tpu.memref_slice %arg4[%dma_start3A_42, %dma_start3A_43] : memref<10240x128xf32, #tpu.memory_space<hbm>> -> memref<10240x128xf32, #tpu.memory_space<hbm>>
      tpu.enqueue_indirect_dma source(%dma_start3A_44 : memref<10240x128xf32, #tpu.memory_space<hbm>>) target(%dma_start3A_38 : memref<128x128xf32, #tpu.memory_space<vmem>>) offsets(%dma_start3A_41 : memref<128xi32, #tpu.memory_space<vmem>>) semaphore(%arg13 : memref<!tpu.dma_semaphore, #tpu.memory_space<semaphore_mem>>)
      %dma_start3A_45 = arith.constant 1 : i32
      %dma_start3A_46 = arith.constant 128 : i32
      %dma_start3A_47 = arith.constant 0 : i32
      %dma_start3A_48 = tpu.memref_slice %arg12[%dma_start3A_46, %dma_start3A_47] : memref<256x128xf32, #tpu.memory_space<vmem>> -> memref<128x128xf32, #tpu.memory_space<vmem>>
      %dma_start3A_49 = arith.constant 0 : i32
      %dma_start3A_50 = tpu.memref_slice %arg10[%dma_start3A_45, %dma_start3A_49] : memref<2x128xi32, #tpu.memory_space<vmem>> -> memref<1x128xi32, #tpu.memory_space<vmem>>
      %dma_start3A_51 = tpu.memref_squeeze %dma_start3A_50 : memref<1x128xi32, #tpu.memory_space<vmem>> -> memref<128xi32, #tpu.memory_space<vmem>>
      %dma_start3A_52 = arith.constant 0 : i32
      %dma_start3A_53 = arith.constant 0 : i32
      %dma_start3A_54 = tpu.memref_slice %arg6[%dma_start3A_52, %dma_start3A_53] : memref<10240x128xf32, #tpu.memory_space<hbm>> -> memref<10240x128xf32, #tpu.memory_space<hbm>>
      tpu.enqueue_indirect_dma source(%dma_start3A_54 : memref<10240x128xf32, #tpu.memory_space<hbm>>) target(%dma_start3A_48 : memref<128x128xf32, #tpu.memory_space<vmem>>) offsets(%dma_start3A_51 : memref<128xi32, #tpu.memory_space<vmem>>) semaphore(%arg14 : memref<!tpu.dma_semaphore, #tpu.memory_space<semaphore_mem>>)
      %dma_wait3A = arith.constant 0 : i32
      %dma_wait3A_55 = arith.constant 0 : i32
      %dma_wait3A_56 = arith.constant 0 : i32
      %dma_wait3A_57 = tpu.memref_slice %arg11[%dma_wait3A_55, %dma_wait3A_56] : memref<256x128xf32, #tpu.memory_space<vmem>> -> memref<128x128xf32, #tpu.memory_space<vmem>>
      %dma_wait3A_58 = arith.constant 0 : i32
      %dma_wait3A_59 = tpu.memref_slice %arg9[%dma_wait3A, %dma_wait3A_58] : memref<2x128xi32, #tpu.memory_space<vmem>> -> memref<1x128xi32, #tpu.memory_space<vmem>>
      %dma_wait3A_60 = tpu.memref_squeeze %dma_wait3A_59 : memref<1x128xi32, #tpu.memory_space<vmem>> -> memref<128xi32, #tpu.memory_space<vmem>>
      %dma_wait3A_61 = arith.constant 0 : i32
      %dma_wait3A_62 = arith.constant 0 : i32
      %dma_wait3A_63 = tpu.memref_slice %arg4[%dma_wait3A_61, %dma_wait3A_62] : memref<10240x128xf32, #tpu.memory_space<hbm>> -> memref<10240x128xf32, #tpu.memory_space<hbm>>
      tpu.wait_indirect_dma semaphore(%arg13 : memref<!tpu.dma_semaphore, #tpu.memory_space<semaphore_mem>>) src(%dma_wait3A_63 : memref<10240x128xf32, #tpu.memory_space<hbm>>) dst(%dma_wait3A_57 : memref<128x128xf32, #tpu.memory_space<vmem>>)
      %dma_wait3A_64 = arith.constant 0 : i32
      %dma_wait3A_65 = arith.constant 0 : i32
      %dma_wait3A_66 = arith.constant 0 : i32
      %dma_wait3A_67 = tpu.memref_slice %arg12[%dma_wait3A_65, %dma_wait3A_66] : memref<256x128xf32, #tpu.memory_space<vmem>> -> memref<128x128xf32, #tpu.memory_space<vmem>>
      %dma_wait3A_68 = arith.constant 0 : i32
      %dma_wait3A_69 = tpu.memref_slice %arg10[%dma_wait3A_64, %dma_wait3A_68] : memref<2x128xi32, #tpu.memory_space<vmem>> -> memref<1x128xi32, #tpu.memory_space<vmem>>
      %dma_wait3A_70 = tpu.memref_squeeze %dma_wait3A_69 : memref<1x128xi32, #tpu.memory_space<vmem>> -> memref<128xi32, #tpu.memory_space<vmem>>
      %dma_wait3A_71 = arith.constant 0 : i32
      %dma_wait3A_72 = arith.constant 0 : i32
      %dma_wait3A_73 = tpu.memref_slice %arg6[%dma_wait3A_71, %dma_wait3A_72] : memref<10240x128xf32, #tpu.memory_space<hbm>> -> memref<10240x128xf32, #tpu.memory_space<hbm>>
      tpu.wait_indirect_dma semaphore(%arg14 : memref<!tpu.dma_semaphore, #tpu.memory_space<semaphore_mem>>) src(%dma_wait3A_73 : memref<10240x128xf32, #tpu.memory_space<hbm>>) dst(%dma_wait3A_67 : memref<128x128xf32, #tpu.memory_space<vmem>>)
      %dma_wait3A_74 = arith.constant 1 : i32
      %dma_wait3A_75 = arith.constant 128 : i32
      %dma_wait3A_76 = arith.constant 0 : i32
      %dma_wait3A_77 = tpu.memref_slice %arg11[%dma_wait3A_75, %dma_wait3A_76] : memref<256x128xf32, #tpu.memory_space<vmem>> -> memref<128x128xf32, #tpu.memory_space<vmem>>
      %dma_wait3A_78 = arith.constant 0 : i32
      %dma_wait3A_79 = tpu.memref_slice %arg9[%dma_wait3A_74, %dma_wait3A_78] : memref<2x128xi32, #tpu.memory_space<vmem>> -> memref<1x128xi32, #tpu.memory_space<vmem>>
      %dma_wait3A_80 = tpu.memref_squeeze %dma_wait3A_79 : memref<1x128xi32, #tpu.memory_space<vmem>> -> memref<128xi32, #tpu.memory_space<vmem>>
      %dma_wait3A_81 = arith.constant 0 : i32
      %dma_wait3A_82 = arith.constant 0 : i32
      %dma_wait3A_83 = tpu.memref_slice %arg4[%dma_wait3A_81, %dma_wait3A_82] : memref<10240x128xf32, #tpu.memory_space<hbm>> -> memref<10240x128xf32, #tpu.memory_space<hbm>>
      tpu.wait_indirect_dma semaphore(%arg13 : memref<!tpu.dma_semaphore, #tpu.memory_space<semaphore_mem>>) src(%dma_wait3A_83 : memref<10240x128xf32, #tpu.memory_space<hbm>>) dst(%dma_wait3A_77 : memref<128x128xf32, #tpu.memory_space<vmem>>)
      %dma_wait3A_84 = arith.constant 1 : i32
      %dma_wait3A_85 = arith.constant 128 : i32
      %dma_wait3A_86 = arith.constant 0 : i32
      %dma_wait3A_87 = tpu.memref_slice %arg12[%dma_wait3A_85, %dma_wait3A_86] : memref<256x128xf32, #tpu.memory_space<vmem>> -> memref<128x128xf32, #tpu.memory_space<vmem>>
      %dma_wait3A_88 = arith.constant 0 : i32
      %dma_wait3A_89 = tpu.memref_slice %arg10[%dma_wait3A_84, %dma_wait3A_88] : memref<2x128xi32, #tpu.memory_space<vmem>> -> memref<1x128xi32, #tpu.memory_space<vmem>>
      %dma_wait3A_90 = tpu.memref_squeeze %dma_wait3A_89 : memref<1x128xi32, #tpu.memory_space<vmem>> -> memref<128xi32, #tpu.memory_space<vmem>>
      %dma_wait3A_91 = arith.constant 0 : i32
      %dma_wait3A_92 = arith.constant 0 : i32
      %dma_wait3A_93 = tpu.memref_slice %arg6[%dma_wait3A_91, %dma_wait3A_92] : memref<10240x128xf32, #tpu.memory_space<hbm>> -> memref<10240x128xf32, #tpu.memory_space<hbm>>
      tpu.wait_indirect_dma semaphore(%arg14 : memref<!tpu.dma_semaphore, #tpu.memory_space<semaphore_mem>>) src(%dma_wait3A_93 : memref<10240x128xf32, #tpu.memory_space<hbm>>) dst(%dma_wait3A_87 : memref<128x128xf32, #tpu.memory_space<vmem>>)
      %dma_start3A_94 = arith.constant 0 : i32
      %dma_start3A_95 = arith.constant 0 : i32
      %dma_start3A_96 = arith.constant 0 : i32
      %dma_start3A_97 = tpu.memref_slice %arg11[%dma_start3A_95, %dma_start3A_96] : memref<256x128xf32, #tpu.memory_space<vmem>> -> memref<128x128xf32, #tpu.memory_space<vmem>>
      %dma_start3A_98 = arith.constant 0 : i32
      %dma_start3A_99 = tpu.memref_slice %arg10[%dma_start3A_94, %dma_start3A_98] : memref<2x128xi32, #tpu.memory_space<vmem>> -> memref<1x128xi32, #tpu.memory_space<vmem>>
      %dma_start3A_100 = tpu.memref_squeeze %dma_start3A_99 : memref<1x128xi32, #tpu.memory_space<vmem>> -> memref<128xi32, #tpu.memory_space<vmem>>
      %dma_start3A_101 = arith.constant 0 : i32
      %dma_start3A_102 = arith.constant 0 : i32
      %dma_start3A_103 = tpu.memref_slice %arg5[%dma_start3A_101, %dma_start3A_102] : memref<10240x128xf32, #tpu.memory_space<hbm>> -> memref<10240x128xf32, #tpu.memory_space<hbm>>
      tpu.enqueue_indirect_dma source(%dma_start3A_103 : memref<10240x128xf32, #tpu.memory_space<hbm>>) target(%dma_start3A_97 : memref<128x128xf32, #tpu.memory_space<vmem>>) offsets(%dma_start3A_100 : memref<128xi32, #tpu.memory_space<vmem>>) semaphore(%arg13 : memref<!tpu.dma_semaphore, #tpu.memory_space<semaphore_mem>>) {add = true}
      %dma_start3A_104 = arith.constant 1 : i32
      %dma_start3A_105 = arith.constant 128 : i32
      %dma_start3A_106 = arith.constant 0 : i32
      %dma_start3A_107 = tpu.memref_slice %arg11[%dma_start3A_105, %dma_start3A_106] : memref<256x128xf32, #tpu.memory_space<vmem>> -> memref<128x128xf32, #tpu.memory_space<vmem>>
      %dma_start3A_108 = arith.constant 0 : i32
      %dma_start3A_109 = tpu.memref_slice %arg10[%dma_start3A_104, %dma_start3A_108] : memref<2x128xi32, #tpu.memory_space<vmem>> -> memref<1x128xi32, #tpu.memory_space<vmem>>
      %dma_start3A_110 = tpu.memref_squeeze %dma_start3A_109 : memref<1x128xi32, #tpu.memory_space<vmem>> -> memref<128xi32, #tpu.memory_space<vmem>>
      %dma_start3A_111 = arith.constant 0 : i32
      %dma_start3A_112 = arith.constant 0 : i32
      %dma_start3A_113 = tpu.memref_slice %arg5[%dma_start3A_111, %dma_start3A_112] : memref<10240x128xf32, #tpu.memory_space<hbm>> -> memref<10240x128xf32, #tpu.memory_space<hbm>>
      tpu.enqueue_indirect_dma source(%dma_start3A_113 : memref<10240x128xf32, #tpu.memory_space<hbm>>) target(%dma_start3A_107 : memref<128x128xf32, #tpu.memory_space<vmem>>) offsets(%dma_start3A_110 : memref<128xi32, #tpu.memory_space<vmem>>) semaphore(%arg13 : memref<!tpu.dma_semaphore, #tpu.memory_space<semaphore_mem>>) {add = true}
      "tpu.region"() ({
        %run_scoped3A = tpu.sem_alloc : memref<!tpu.dma_semaphore, #tpu.memory_space<semaphore_mem>>
        %dma_start3A_135 = arith.constant 0 : i32
        %dma_start3A_136 = tpu.memref_slice %arg8[%mul3A_15, %dma_start3A_135] : memref<335872x128xf32, #tpu.memory_space<hbm>> -> memref<256x128xf32, #tpu.memory_space<hbm>>
        %dma_start3A_137 = arith.constant 0 : i32
        %dma_start3A_138 = tpu.memref_slice %arg8[%mul3A_15, %dma_start3A_137] : memref<335872x128xf32, #tpu.memory_space<hbm>> -> memref<256x128xf32, #tpu.memory_space<hbm>>
        tpu.enqueue_dma source(%arg12 : memref<256x128xf32, #tpu.memory_space<vmem>>) target(%dma_start3A_138 : memref<256x128xf32, #tpu.memory_space<hbm>>) target_semaphore(%run_scoped3A : memref<!tpu.dma_semaphore, #tpu.memory_space<semaphore_mem>>)
        %dma_wait3A_139 = arith.constant 0 : i32
        %dma_wait3A_140 = tpu.memref_slice %arg8[%mul3A_15, %dma_wait3A_139] : memref<335872x128xf32, #tpu.memory_space<hbm>> -> memref<256x128xf32, #tpu.memory_space<hbm>>
        %dma_wait3A_141 = arith.constant 0 : i32
        %dma_wait3A_142 = tpu.memref_slice %arg8[%mul3A_15, %dma_wait3A_141] : memref<335872x128xf32, #tpu.memory_space<hbm>> -> memref<256x128xf32, #tpu.memory_space<hbm>>
        tpu.wait_dma2 semaphore(%run_scoped3A : memref<!tpu.dma_semaphore, #tpu.memory_space<semaphore_mem>>) src(%arg12 : memref<256x128xf32, #tpu.memory_space<vmem>>) dst(%dma_wait3A_142 : memref<256x128xf32, #tpu.memory_space<hbm>>)
        tpu.yield
      }) : () -> ()
      %dma_wait3A_114 = arith.constant 0 : i32
      %dma_wait3A_115 = arith.constant 0 : i32
      %dma_wait3A_116 = arith.constant 0 : i32
      %dma_wait3A_117 = tpu.memref_slice %arg11[%dma_wait3A_115, %dma_wait3A_116] : memref<256x128xf32, #tpu.memory_space<vmem>> -> memref<128x128xf32, #tpu.memory_space<vmem>>
      %dma_wait3A_118 = arith.constant 0 : i32
      %dma_wait3A_119 = tpu.memref_slice %arg10[%dma_wait3A_114, %dma_wait3A_118] : memref<2x128xi32, #tpu.memory_space<vmem>> -> memref<1x128xi32, #tpu.memory_space<vmem>>
      %dma_wait3A_120 = tpu.memref_squeeze %dma_wait3A_119 : memref<1x128xi32, #tpu.memory_space<vmem>> -> memref<128xi32, #tpu.memory_space<vmem>>
      %dma_wait3A_121 = arith.constant 0 : i32
      %dma_wait3A_122 = arith.constant 0 : i32
      %dma_wait3A_123 = tpu.memref_slice %arg5[%dma_wait3A_121, %dma_wait3A_122] : memref<10240x128xf32, #tpu.memory_space<hbm>> -> memref<10240x128xf32, #tpu.memory_space<hbm>>
      tpu.wait_indirect_dma semaphore(%arg13 : memref<!tpu.dma_semaphore, #tpu.memory_space<semaphore_mem>>) src(%dma_wait3A_123 : memref<10240x128xf32, #tpu.memory_space<hbm>>) dst(%dma_wait3A_117 : memref<128x128xf32, #tpu.memory_space<vmem>>)
      %dma_wait3A_124 = arith.constant 1 : i32
      %dma_wait3A_125 = arith.constant 128 : i32
      %dma_wait3A_126 = arith.constant 0 : i32
      %dma_wait3A_127 = tpu.memref_slice %arg11[%dma_wait3A_125, %dma_wait3A_126] : memref<256x128xf32, #tpu.memory_space<vmem>> -> memref<128x128xf32, #tpu.memory_space<vmem>>
      %dma_wait3A_128 = arith.constant 0 : i32
      %dma_wait3A_129 = tpu.memref_slice %arg10[%dma_wait3A_124, %dma_wait3A_128] : memref<2x128xi32, #tpu.memory_space<vmem>> -> memref<1x128xi32, #tpu.memory_space<vmem>>
      %dma_wait3A_130 = tpu.memref_squeeze %dma_wait3A_129 : memref<1x128xi32, #tpu.memory_space<vmem>> -> memref<128xi32, #tpu.memory_space<vmem>>
      %dma_wait3A_131 = arith.constant 0 : i32
      %dma_wait3A_132 = arith.constant 0 : i32
      %dma_wait3A_133 = tpu.memref_slice %arg5[%dma_wait3A_131, %dma_wait3A_132] : memref<10240x128xf32, #tpu.memory_space<hbm>> -> memref<10240x128xf32, #tpu.memory_space<hbm>>
      tpu.wait_indirect_dma semaphore(%arg13 : memref<!tpu.dma_semaphore, #tpu.memory_space<semaphore_mem>>) src(%dma_wait3A_133 : memref<10240x128xf32, #tpu.memory_space<hbm>>) dst(%dma_wait3A_127 : memref<128x128xf32, #tpu.memory_space<vmem>>)
      "tpu.region"() ({
        %run_scoped3A = tpu.sem_alloc : memref<!tpu.dma_semaphore, #tpu.memory_space<semaphore_mem>>
        %dma_start3A_135 = arith.constant 0 : i32
        %dma_start3A_136 = tpu.memref_slice %arg7[%mul3A_15, %dma_start3A_135] : memref<335872x128xf32, #tpu.memory_space<hbm>> -> memref<256x128xf32, #tpu.memory_space<hbm>>
        %dma_start3A_137 = arith.constant 0 : i32
        %dma_start3A_138 = tpu.memref_slice %arg7[%mul3A_15, %dma_start3A_137] : memref<335872x128xf32, #tpu.memory_space<hbm>> -> memref<256x128xf32, #tpu.memory_space<hbm>>
        tpu.enqueue_dma source(%arg11 : memref<256x128xf32, #tpu.memory_space<vmem>>) target(%dma_start3A_138 : memref<256x128xf32, #tpu.memory_space<hbm>>) target_semaphore(%run_scoped3A : memref<!tpu.dma_semaphore, #tpu.memory_space<semaphore_mem>>)
        %dma_wait3A_139 = arith.constant 0 : i32
        %dma_wait3A_140 = tpu.memref_slice %arg7[%mul3A_15, %dma_wait3A_139] : memref<335872x128xf32, #tpu.memory_space<hbm>> -> memref<256x128xf32, #tpu.memory_space<hbm>>
        %dma_wait3A_141 = arith.constant 0 : i32
        %dma_wait3A_142 = tpu.memref_slice %arg7[%mul3A_15, %dma_wait3A_141] : memref<335872x128xf32, #tpu.memory_space<hbm>> -> memref<256x128xf32, #tpu.memory_space<hbm>>
        tpu.wait_dma2 semaphore(%run_scoped3A : memref<!tpu.dma_semaphore, #tpu.memory_space<semaphore_mem>>) src(%arg11 : memref<256x128xf32, #tpu.memory_space<vmem>>) dst(%dma_wait3A_142 : memref<256x128xf32, #tpu.memory_space<hbm>>)
        tpu.yield
      }) : () -> ()
      %scan3A_134 = arith.constant 0 : i32
      scf.yield %scan3A_134 : i32
    }
    %scan3A_8 = arith.constant 41 : i32
    return
  }
}

#map = affine_map<(d0, d1) -> (0, 0)>
#map1 = affine_map<(d0, d1) -> (0, 0, 0)>
module attributes {stable_mosaic.version = 14 : i64} {
  func.func @_scatter_body(%arg0: i32, %arg1: i32, %arg2: memref<2624x128xi32, #tpu.memory_space<hbm>>, %arg3: memref<2x335872x128xf32, #tpu.memory_space<hbm>>, %arg4: memref<10240x128xf32, #tpu.memory_space<hbm>>, %arg5: memref<2x10240x128xf32, #tpu.memory_space<hbm>>, %arg6: memref<2x128xi32, #tpu.memory_space<vmem>>, %arg7: memref<256x128xf32, #tpu.memory_space<vmem>>, %arg8: memref<10240x128xf32, #tpu.memory_space<vmem_shared>>, %arg9: memref<!tpu.dma_semaphore, #tpu.memory_space<semaphore_mem>>) attributes {dimension_semantics = [#tpu.dimension_semantics<core_parallel>, #tpu.dimension_semantics<subcore_parallel>], iteration_bounds = array<i64: 2, 16>, scalar_prefetch = 0 : i64, scratch_operands = 4 : i64, tpu.core_type = #tpu.core_type<sc_vector_subcore>, window_params = [{transform_indices = #map}, {transform_indices = #map1}, {transform_indices = #map}, {transform_indices = #map1}]} {
    %mul3A = arith.constant 640 : i32
    %mul3A_0 = arith.muli %arg1, %mul3A : i32
    %mul3A_1 = arith.constant 640 : i32
    %mul3A_2 = arith.muli %arg1, %mul3A_1 : i32
    "tpu.region"() ({
      %run_scoped3A = tpu.sem_alloc : memref<!tpu.dma_semaphore, #tpu.memory_space<semaphore_mem>>
      %dma_start3A = arith.constant 0 : i32
      %dma_start3A_14 = tpu.memref_slice %arg8[%mul3A_2, %dma_start3A] : memref<10240x128xf32, #tpu.memory_space<vmem_shared>> -> memref<640x128xf32, #tpu.memory_space<vmem_shared>>
      %dma_start3A_15 = arith.constant 0 : i32
      %dma_start3A_16 = tpu.memref_slice %arg4[%mul3A_0, %dma_start3A_15] : memref<10240x128xf32, #tpu.memory_space<hbm>> -> memref<640x128xf32, #tpu.memory_space<hbm>>
      tpu.enqueue_dma source(%dma_start3A_16 : memref<640x128xf32, #tpu.memory_space<hbm>>) target(%dma_start3A_14 : memref<640x128xf32, #tpu.memory_space<vmem_shared>>) target_semaphore(%run_scoped3A : memref<!tpu.dma_semaphore, #tpu.memory_space<semaphore_mem>>)
      %dma_wait3A = arith.constant 0 : i32
      %dma_wait3A_17 = tpu.memref_slice %arg8[%mul3A_2, %dma_wait3A] : memref<10240x128xf32, #tpu.memory_space<vmem_shared>> -> memref<640x128xf32, #tpu.memory_space<vmem_shared>>
      %dma_wait3A_18 = arith.constant 0 : i32
      %dma_wait3A_19 = tpu.memref_slice %arg4[%mul3A_0, %dma_wait3A_18] : memref<10240x128xf32, #tpu.memory_space<hbm>> -> memref<640x128xf32, #tpu.memory_space<hbm>>
      tpu.wait_dma2 semaphore(%run_scoped3A : memref<!tpu.dma_semaphore, #tpu.memory_space<semaphore_mem>>) src(%dma_wait3A_19 : memref<640x128xf32, #tpu.memory_space<hbm>>) dst(%dma_wait3A_17 : memref<640x128xf32, #tpu.memory_space<vmem_shared>>)
      tpu.yield
    }) : () -> ()
    %barrier3A = arith.constant 0 : index
    tpu.barrier barrier_id(%barrier3A)
    %scan3A = arith.constant 0 : i32
    %scan3A_3 = arith.constant 0 : i32
    %scan3A_4 = arith.constant 82 : i32
    %scan3A_5 = arith.addi %scan3A_3, %scan3A_4 : i32
    %scan3A_6 = arith.constant 1 : i32
    %scan3A_7 = scf.for %scan3A_14 = %scan3A_3 to %scan3A_5 step %scan3A_6 iter_args(%scan3A_15 = %scan3A) -> (i32)  : i32 {
      %mul3A_16 = arith.constant 164 : i32
      %mul3A_17 = arith.muli %arg1, %mul3A_16 : i32
      %mul3A_18 = arith.constant 2 : i32
      %mul3A_19 = arith.muli %scan3A_14, %mul3A_18 : i32
      %add3A = arith.addi %mul3A_17, %mul3A_19 : i32
      %mul3A_20 = arith.constant 128 : i32
      %mul3A_21 = arith.muli %add3A, %mul3A_20 : i32
      "tpu.region"() ({
        %run_scoped3A = tpu.sem_alloc : memref<!tpu.dma_semaphore, #tpu.memory_space<semaphore_mem>>
        %dma_start3A_61 = arith.constant 0 : i32
        %dma_start3A_62 = tpu.memref_slice %arg2[%add3A, %dma_start3A_61] : memref<2624x128xi32, #tpu.memory_space<hbm>> -> memref<2x128xi32, #tpu.memory_space<hbm>>
        %dma_start3A_63 = arith.constant 0 : i32
        %dma_start3A_64 = tpu.memref_slice %arg2[%add3A, %dma_start3A_63] : memref<2624x128xi32, #tpu.memory_space<hbm>> -> memref<2x128xi32, #tpu.memory_space<hbm>>
        tpu.enqueue_dma source(%dma_start3A_64 : memref<2x128xi32, #tpu.memory_space<hbm>>) target(%arg6 : memref<2x128xi32, #tpu.memory_space<vmem>>) target_semaphore(%run_scoped3A : memref<!tpu.dma_semaphore, #tpu.memory_space<semaphore_mem>>)
        %dma_wait3A_65 = arith.constant 0 : i32
        %dma_wait3A_66 = tpu.memref_slice %arg2[%add3A, %dma_wait3A_65] : memref<2624x128xi32, #tpu.memory_space<hbm>> -> memref<2x128xi32, #tpu.memory_space<hbm>>
        %dma_wait3A_67 = arith.constant 0 : i32
        %dma_wait3A_68 = tpu.memref_slice %arg2[%add3A, %dma_wait3A_67] : memref<2624x128xi32, #tpu.memory_space<hbm>> -> memref<2x128xi32, #tpu.memory_space<hbm>>
        tpu.wait_dma2 semaphore(%run_scoped3A : memref<!tpu.dma_semaphore, #tpu.memory_space<semaphore_mem>>) src(%dma_wait3A_68 : memref<2x128xi32, #tpu.memory_space<hbm>>) dst(%arg6 : memref<2x128xi32, #tpu.memory_space<vmem>>)
        tpu.yield
      }) : () -> ()
      "tpu.region"() ({
        %run_scoped3A = tpu.sem_alloc : memref<!tpu.dma_semaphore, #tpu.memory_space<semaphore_mem>>
        %dma_start3A_61 = arith.constant 0 : i32
        %dma_start3A_62 = tpu.memref_slice %arg3[%arg0, %mul3A_21, %dma_start3A_61] : memref<2x335872x128xf32, #tpu.memory_space<hbm>> -> memref<1x256x128xf32, #tpu.memory_space<hbm>>
        %dma_start3A_63 = tpu.memref_squeeze %dma_start3A_62 : memref<1x256x128xf32, #tpu.memory_space<hbm>> -> memref<256x128xf32, #tpu.memory_space<hbm>>
        %dma_start3A_64 = arith.constant 0 : i32
        %dma_start3A_65 = tpu.memref_slice %arg3[%arg0, %mul3A_21, %dma_start3A_64] : memref<2x335872x128xf32, #tpu.memory_space<hbm>> -> memref<1x256x128xf32, #tpu.memory_space<hbm>>
        %dma_start3A_66 = tpu.memref_squeeze %dma_start3A_65 : memref<1x256x128xf32, #tpu.memory_space<hbm>> -> memref<256x128xf32, #tpu.memory_space<hbm>>
        tpu.enqueue_dma source(%dma_start3A_66 : memref<256x128xf32, #tpu.memory_space<hbm>>) target(%arg7 : memref<256x128xf32, #tpu.memory_space<vmem>>) target_semaphore(%run_scoped3A : memref<!tpu.dma_semaphore, #tpu.memory_space<semaphore_mem>>)
        %dma_wait3A_67 = arith.constant 0 : i32
        %dma_wait3A_68 = tpu.memref_slice %arg3[%arg0, %mul3A_21, %dma_wait3A_67] : memref<2x335872x128xf32, #tpu.memory_space<hbm>> -> memref<1x256x128xf32, #tpu.memory_space<hbm>>
        %dma_wait3A_69 = tpu.memref_squeeze %dma_wait3A_68 : memref<1x256x128xf32, #tpu.memory_space<hbm>> -> memref<256x128xf32, #tpu.memory_space<hbm>>
        %dma_wait3A_70 = arith.constant 0 : i32
        %dma_wait3A_71 = tpu.memref_slice %arg3[%arg0, %mul3A_21, %dma_wait3A_70] : memref<2x335872x128xf32, #tpu.memory_space<hbm>> -> memref<1x256x128xf32, #tpu.memory_space<hbm>>
        %dma_wait3A_72 = tpu.memref_squeeze %dma_wait3A_71 : memref<1x256x128xf32, #tpu.memory_space<hbm>> -> memref<256x128xf32, #tpu.memory_space<hbm>>
        tpu.wait_dma2 semaphore(%run_scoped3A : memref<!tpu.dma_semaphore, #tpu.memory_space<semaphore_mem>>) src(%dma_wait3A_72 : memref<256x128xf32, #tpu.memory_space<hbm>>) dst(%arg7 : memref<256x128xf32, #tpu.memory_space<vmem>>)
        tpu.yield
      }) : () -> ()
      %dma_start3A = arith.constant 0 : i32
      %dma_start3A_22 = arith.constant 0 : i32
      %dma_start3A_23 = arith.constant 0 : i32
      %dma_start3A_24 = tpu.memref_slice %arg7[%dma_start3A_22, %dma_start3A_23] : memref<256x128xf32, #tpu.memory_space<vmem>> -> memref<128x128xf32, #tpu.memory_space<vmem>>
      %dma_start3A_25 = arith.constant 0 : i32
      %dma_start3A_26 = tpu.memref_slice %arg6[%dma_start3A, %dma_start3A_25] : memref<2x128xi32, #tpu.memory_space<vmem>> -> memref<1x128xi32, #tpu.memory_space<vmem>>
      %dma_start3A_27 = tpu.memref_squeeze %dma_start3A_26 : memref<1x128xi32, #tpu.memory_space<vmem>> -> memref<128xi32, #tpu.memory_space<vmem>>
      %dma_start3A_28 = arith.constant 0 : i32
      %dma_start3A_29 = arith.constant 0 : i32
      %dma_start3A_30 = tpu.memref_slice %arg8[%dma_start3A_28, %dma_start3A_29] : memref<10240x128xf32, #tpu.memory_space<vmem_shared>> -> memref<10240x128xf32, #tpu.memory_space<vmem_shared>>
      tpu.enqueue_indirect_dma source(%dma_start3A_24 : memref<128x128xf32, #tpu.memory_space<vmem>>) target(%dma_start3A_30 : memref<10240x128xf32, #tpu.memory_space<vmem_shared>>) offsets(%dma_start3A_27 : memref<128xi32, #tpu.memory_space<vmem>>) semaphore(%arg9 : memref<!tpu.dma_semaphore, #tpu.memory_space<semaphore_mem>>) {add = true}
      %dma_start3A_31 = arith.constant 1 : i32
      %dma_start3A_32 = arith.constant 128 : i32
      %dma_start3A_33 = arith.constant 0 : i32
      %dma_start3A_34 = tpu.memref_slice %arg7[%dma_start3A_32, %dma_start3A_33] : memref<256x128xf32, #tpu.memory_space<vmem>> -> memref<128x128xf32, #tpu.memory_space<vmem>>
      %dma_start3A_35 = arith.constant 0 : i32
      %dma_start3A_36 = tpu.memref_slice %arg6[%dma_start3A_31, %dma_start3A_35] : memref<2x128xi32, #tpu.memory_space<vmem>> -> memref<1x128xi32, #tpu.memory_space<vmem>>
      %dma_start3A_37 = tpu.memref_squeeze %dma_start3A_36 : memref<1x128xi32, #tpu.memory_space<vmem>> -> memref<128xi32, #tpu.memory_space<vmem>>
      %dma_start3A_38 = arith.constant 0 : i32
      %dma_start3A_39 = arith.constant 0 : i32
      %dma_start3A_40 = tpu.memref_slice %arg8[%dma_start3A_38, %dma_start3A_39] : memref<10240x128xf32, #tpu.memory_space<vmem_shared>> -> memref<10240x128xf32, #tpu.memory_space<vmem_shared>>
      tpu.enqueue_indirect_dma source(%dma_start3A_34 : memref<128x128xf32, #tpu.memory_space<vmem>>) target(%dma_start3A_40 : memref<10240x128xf32, #tpu.memory_space<vmem_shared>>) offsets(%dma_start3A_37 : memref<128xi32, #tpu.memory_space<vmem>>) semaphore(%arg9 : memref<!tpu.dma_semaphore, #tpu.memory_space<semaphore_mem>>) {add = true}
      %dma_wait3A = arith.constant 0 : i32
      %dma_wait3A_41 = arith.constant 0 : i32
      %dma_wait3A_42 = arith.constant 0 : i32
      %dma_wait3A_43 = tpu.memref_slice %arg7[%dma_wait3A_41, %dma_wait3A_42] : memref<256x128xf32, #tpu.memory_space<vmem>> -> memref<128x128xf32, #tpu.memory_space<vmem>>
      %dma_wait3A_44 = arith.constant 0 : i32
      %dma_wait3A_45 = tpu.memref_slice %arg6[%dma_wait3A, %dma_wait3A_44] : memref<2x128xi32, #tpu.memory_space<vmem>> -> memref<1x128xi32, #tpu.memory_space<vmem>>
      %dma_wait3A_46 = tpu.memref_squeeze %dma_wait3A_45 : memref<1x128xi32, #tpu.memory_space<vmem>> -> memref<128xi32, #tpu.memory_space<vmem>>
      %dma_wait3A_47 = arith.constant 0 : i32
      %dma_wait3A_48 = arith.constant 0 : i32
      %dma_wait3A_49 = tpu.memref_slice %arg8[%dma_wait3A_47, %dma_wait3A_48] : memref<10240x128xf32, #tpu.memory_space<vmem_shared>> -> memref<10240x128xf32, #tpu.memory_space<vmem_shared>>
      tpu.wait_indirect_dma semaphore(%arg9 : memref<!tpu.dma_semaphore, #tpu.memory_space<semaphore_mem>>) src(%dma_wait3A_43 : memref<128x128xf32, #tpu.memory_space<vmem>>) dst(%dma_wait3A_49 : memref<10240x128xf32, #tpu.memory_space<vmem_shared>>)
      %dma_wait3A_50 = arith.constant 1 : i32
      %dma_wait3A_51 = arith.constant 128 : i32
      %dma_wait3A_52 = arith.constant 0 : i32
      %dma_wait3A_53 = tpu.memref_slice %arg7[%dma_wait3A_51, %dma_wait3A_52] : memref<256x128xf32, #tpu.memory_space<vmem>> -> memref<128x128xf32, #tpu.memory_space<vmem>>
      %dma_wait3A_54 = arith.constant 0 : i32
      %dma_wait3A_55 = tpu.memref_slice %arg6[%dma_wait3A_50, %dma_wait3A_54] : memref<2x128xi32, #tpu.memory_space<vmem>> -> memref<1x128xi32, #tpu.memory_space<vmem>>
      %dma_wait3A_56 = tpu.memref_squeeze %dma_wait3A_55 : memref<1x128xi32, #tpu.memory_space<vmem>> -> memref<128xi32, #tpu.memory_space<vmem>>
      %dma_wait3A_57 = arith.constant 0 : i32
      %dma_wait3A_58 = arith.constant 0 : i32
      %dma_wait3A_59 = tpu.memref_slice %arg8[%dma_wait3A_57, %dma_wait3A_58] : memref<10240x128xf32, #tpu.memory_space<vmem_shared>> -> memref<10240x128xf32, #tpu.memory_space<vmem_shared>>
      tpu.wait_indirect_dma semaphore(%arg9 : memref<!tpu.dma_semaphore, #tpu.memory_space<semaphore_mem>>) src(%dma_wait3A_53 : memref<128x128xf32, #tpu.memory_space<vmem>>) dst(%dma_wait3A_59 : memref<10240x128xf32, #tpu.memory_space<vmem_shared>>)
      %scan3A_60 = arith.constant 0 : i32
      scf.yield %scan3A_60 : i32
    }
    %scan3A_8 = arith.constant 82 : i32
    %barrier3A_9 = arith.constant 0 : index
    tpu.barrier barrier_id(%barrier3A_9)
    %mul3A_10 = arith.constant 640 : i32
    %mul3A_11 = arith.muli %arg1, %mul3A_10 : i32
    %mul3A_12 = arith.constant 640 : i32
    %mul3A_13 = arith.muli %arg1, %mul3A_12 : i32
    "tpu.region"() ({
      %run_scoped3A = tpu.sem_alloc : memref<!tpu.dma_semaphore, #tpu.memory_space<semaphore_mem>>
      %dma_start3A = arith.constant 0 : i32
      %dma_start3A_14 = tpu.memref_slice %arg5[%arg0, %mul3A_13, %dma_start3A] : memref<2x10240x128xf32, #tpu.memory_space<hbm>> -> memref<1x640x128xf32, #tpu.memory_space<hbm>>
      %dma_start3A_15 = tpu.memref_squeeze %dma_start3A_14 : memref<1x640x128xf32, #tpu.memory_space<hbm>> -> memref<640x128xf32, #tpu.memory_space<hbm>>
      %dma_start3A_16 = arith.constant 0 : i32
      %dma_start3A_17 = tpu.memref_slice %arg8[%mul3A_11, %dma_start3A_16] : memref<10240x128xf32, #tpu.memory_space<vmem_shared>> -> memref<640x128xf32, #tpu.memory_space<vmem_shared>>
      tpu.enqueue_dma source(%dma_start3A_17 : memref<640x128xf32, #tpu.memory_space<vmem_shared>>) target(%dma_start3A_15 : memref<640x128xf32, #tpu.memory_space<hbm>>) target_semaphore(%run_scoped3A : memref<!tpu.dma_semaphore, #tpu.memory_space<semaphore_mem>>)
      %dma_wait3A = arith.constant 0 : i32
      %dma_wait3A_18 = tpu.memref_slice %arg5[%arg0, %mul3A_13, %dma_wait3A] : memref<2x10240x128xf32, #tpu.memory_space<hbm>> -> memref<1x640x128xf32, #tpu.memory_space<hbm>>
      %dma_wait3A_19 = tpu.memref_squeeze %dma_wait3A_18 : memref<1x640x128xf32, #tpu.memory_space<hbm>> -> memref<640x128xf32, #tpu.memory_space<hbm>>
      %dma_wait3A_20 = arith.constant 0 : i32
      %dma_wait3A_21 = tpu.memref_slice %arg8[%mul3A_11, %dma_wait3A_20] : memref<10240x128xf32, #tpu.memory_space<vmem_shared>> -> memref<640x128xf32, #tpu.memory_space<vmem_shared>>
      tpu.wait_dma2 semaphore(%run_scoped3A : memref<!tpu.dma_semaphore, #tpu.memory_space<semaphore_mem>>) src(%dma_wait3A_21 : memref<640x128xf32, #tpu.memory_space<vmem_shared>>) dst(%dma_wait3A_19 : memref<640x128xf32, #tpu.memory_space<hbm>>)
      tpu.yield
    }) : () -> ()
    return
  }
}

module attributes {stable_mosaic.version = 14 : i64} {
  func.func @_prologue_body(%arg0: i32, %arg1: memref<512x128xf32, #tpu.memory_space<vmem>>, %arg2: memref<512x8xf32, #tpu.memory_space<vmem>>, %arg3: memref<128x128xf32, #tpu.memory_space<vmem>>, %arg4: memref<1x128xf32, #tpu.memory_space<vmem>>, %arg5: memref<128x128xf32, #tpu.memory_space<vmem>>, %arg6: memref<128x128xf32, #tpu.memory_space<vmem>>, %arg7: memref<128x64xf32, #tpu.memory_space<vmem>>, %arg8: memref<1x64xf32, #tpu.memory_space<vmem>>, %arg9: memref<8x64xf32, #tpu.memory_space<vmem>>, %arg10: memref<1x64xf32, #tpu.memory_space<vmem>>, %arg11: memref<128x128xf32, #tpu.memory_space<vmem>>, %arg12: memref<512x128xf32, #tpu.memory_space<vmem>>, %arg13: memref<512x128xf32, #tpu.memory_space<vmem>>, %arg14: memref<512x128xf32, #tpu.memory_space<vmem>>) attributes {dimension_semantics = [#tpu.dimension_semantics<arbitrary>], iteration_bounds = array<i64: 20>, scalar_prefetch = 0 : i64, scratch_operands = 0 : i64, tpu.core_type = #tpu.core_type<tc>, window_params = [{transform_indices = @transform_0, window_bounds = array<i64: 512, 128>}, {transform_indices = @transform_1, window_bounds = array<i64: 512, 8>}, {pipeline_mode = #tpu.pipeline_mode<synchronous>, transform_indices = @transform_2, window_bounds = array<i64: 128, 128>}, {pipeline_mode = #tpu.pipeline_mode<synchronous>, transform_indices = @transform_3, window_bounds = array<i64: 1, 128>}, {pipeline_mode = #tpu.pipeline_mode<synchronous>, transform_indices = @transform_4, window_bounds = array<i64: 128, 128>}, {pipeline_mode = #tpu.pipeline_mode<synchronous>, transform_indices = @transform_5, window_bounds = array<i64: 128, 128>}, {pipeline_mode = #tpu.pipeline_mode<synchronous>, transform_indices = @transform_6, window_bounds = array<i64: 128, 64>}, {pipeline_mode = #tpu.pipeline_mode<synchronous>, transform_indices = @transform_7, window_bounds = array<i64: 1, 64>}, {pipeline_mode = #tpu.pipeline_mode<synchronous>, transform_indices = @transform_8, window_bounds = array<i64: 8, 64>}, {pipeline_mode = #tpu.pipeline_mode<synchronous>, transform_indices = @transform_9, window_bounds = array<i64: 1, 64>}, {pipeline_mode = #tpu.pipeline_mode<synchronous>, transform_indices = @transform_10, window_bounds = array<i64: 128, 128>}, {transform_indices = @transform_11, window_bounds = array<i64: 512, 128>}, {transform_indices = @transform_12, window_bounds = array<i64: 512, 128>}, {transform_indices = @transform_13, window_bounds = array<i64: 512, 128>}]} {
    %get3A = arith.constant 0 : index
    %get3A_0 = arith.constant 0 : index
    %get3A_1 = vector.load %arg1[%get3A, %get3A_0] : memref<512x128xf32, #tpu.memory_space<vmem>>, vector<512x128xf32>
    %get3A_2 = arith.constant 0 : index
    %get3A_3 = arith.constant 0 : index
    %get3A_4 = vector.load %arg3[%get3A_2, %get3A_3] : memref<128x128xf32, #tpu.memory_space<vmem>>, vector<128x128xf32>
    %dot_general3A = arith.constant dense<0.000000e+00> : vector<512x128xf32>
    %dot_general3A_5 = tpu.matmul %get3A_1, %get3A_4, %dot_general3A {dimension_numbers = #tpu.dot_dimension_numbers<[1], [0], [0], [1], [0, 0, 1, 1], [], []>, precision = #tpu.contract_precision<fp32>, transpose_lhs_hint = false} : vector<512x128xf32>, vector<128x128xf32>, vector<512x128xf32> -> vector<512x128xf32>
    %get3A_6 = arith.constant 0 : index
    %get3A_7 = arith.constant 0 : index
    %get3A_8 = vector.load %arg4[%get3A_6, %get3A_7] : memref<1x128xf32, #tpu.memory_space<vmem>>, vector<1x128xf32>
    %add3A = vector.broadcast %get3A_8 : vector<1x128xf32> to vector<512x128xf32>
    %add3A_9 = arith.addf %dot_general3A_5, %add3A : vector<512x128xf32>
    %max3A = arith.constant 0.000000e+00 : f32
    %max3A_10 = vector.broadcast %max3A : f32 to vector<512x128xf32>
    %max3A_11 = arith.maximumf %add3A_9, %max3A_10 : vector<512x128xf32>
    %get3A_12 = arith.constant 0 : index
    %get3A_13 = arith.constant 0 : index
    %get3A_14 = vector.load %arg5[%get3A_12, %get3A_13] : memref<128x128xf32, #tpu.memory_space<vmem>>, vector<128x128xf32>
    %dot_general3A_15 = arith.constant dense<0.000000e+00> : vector<512x128xf32>
    %dot_general3A_16 = tpu.matmul %max3A_11, %get3A_14, %dot_general3A_15 {dimension_numbers = #tpu.dot_dimension_numbers<[1], [0], [0], [1], [0, 0, 1, 1], [], []>, precision = #tpu.contract_precision<fp32>, transpose_lhs_hint = false} : vector<512x128xf32>, vector<128x128xf32>, vector<512x128xf32> -> vector<512x128xf32>
    %get3A_17 = arith.constant 0 : index
    %get3A_18 = arith.constant 0 : index
    %get3A_19 = vector.load %arg7[%get3A_17, %get3A_18] : memref<128x64xf32, #tpu.memory_space<vmem>>, vector<128x64xf32>
    %dot_general3A_20 = arith.constant dense<0.000000e+00> : vector<512x64xf32>
    %dot_general3A_21 = tpu.matmul %dot_general3A_16, %get3A_19, %dot_general3A_20 {dimension_numbers = #tpu.dot_dimension_numbers<[1], [0], [0], [1], [0, 0, 1, 1], [], []>, precision = #tpu.contract_precision<fp32>, transpose_lhs_hint = false} : vector<512x128xf32>, vector<128x64xf32>, vector<512x64xf32> -> vector<512x64xf32>
    %get3A_22 = arith.constant 0 : index
    %get3A_23 = arith.constant 0 : index
    %get3A_24 = vector.load %arg8[%get3A_22, %get3A_23] : memref<1x64xf32, #tpu.memory_space<vmem>>, vector<1x64xf32>
    %add3A_25 = vector.broadcast %get3A_24 : vector<1x64xf32> to vector<512x64xf32>
    %add3A_26 = arith.addf %dot_general3A_21, %add3A_25 : vector<512x64xf32>
    %get3A_27 = arith.constant 0 : index
    %get3A_28 = arith.constant 0 : index
    %get3A_29 = vector.load %arg6[%get3A_27, %get3A_28] : memref<128x128xf32, #tpu.memory_space<vmem>>, vector<128x128xf32>
    %dot_general3A_30 = arith.constant dense<0.000000e+00> : vector<512x128xf32>
    %dot_general3A_31 = tpu.matmul %max3A_11, %get3A_29, %dot_general3A_30 {dimension_numbers = #tpu.dot_dimension_numbers<[1], [0], [0], [1], [0, 0, 1, 1], [], []>, precision = #tpu.contract_precision<fp32>, transpose_lhs_hint = false} : vector<512x128xf32>, vector<128x128xf32>, vector<512x128xf32> -> vector<512x128xf32>
    %get3A_32 = arith.constant 0 : index
    %get3A_33 = arith.constant 0 : index
    %get3A_34 = vector.load %arg7[%get3A_32, %get3A_33] : memref<128x64xf32, #tpu.memory_space<vmem>>, vector<128x64xf32>
    %dot_general3A_35 = arith.constant dense<0.000000e+00> : vector<512x64xf32>
    %dot_general3A_36 = tpu.matmul %dot_general3A_31, %get3A_34, %dot_general3A_35 {dimension_numbers = #tpu.dot_dimension_numbers<[1], [0], [0], [1], [0, 0, 1, 1], [], []>, precision = #tpu.contract_precision<fp32>, transpose_lhs_hint = false} : vector<512x128xf32>, vector<128x64xf32>, vector<512x64xf32> -> vector<512x64xf32>
    %get3A_37 = arith.constant 0 : index
    %get3A_38 = arith.constant 0 : index
    %get3A_39 = vector.load %arg2[%get3A_37, %get3A_38] : memref<512x8xf32, #tpu.memory_space<vmem>>, vector<512x8xf32>
    %get3A_40 = arith.constant 0 : index
    %get3A_41 = arith.constant 0 : index
    %get3A_42 = vector.load %arg9[%get3A_40, %get3A_41] : memref<8x64xf32, #tpu.memory_space<vmem>>, vector<8x64xf32>
    %dot_general3A_43 = arith.constant dense<0.000000e+00> : vector<512x64xf32>
    %dot_general3A_44 = tpu.matmul %get3A_39, %get3A_42, %dot_general3A_43 {dimension_numbers = #tpu.dot_dimension_numbers<[1], [0], [0], [1], [0, 0, 1, 1], [], []>, precision = #tpu.contract_precision<fp32>, transpose_lhs_hint = false} : vector<512x8xf32>, vector<8x64xf32>, vector<512x64xf32> -> vector<512x64xf32>
    %get3A_45 = arith.constant 0 : index
    %get3A_46 = arith.constant 0 : index
    %get3A_47 = vector.load %arg10[%get3A_45, %get3A_46] : memref<1x64xf32, #tpu.memory_space<vmem>>, vector<1x64xf32>
    %add3A_48 = vector.broadcast %get3A_47 : vector<1x64xf32> to vector<512x64xf32>
    %add3A_49 = arith.addf %dot_general3A_44, %add3A_48 : vector<512x64xf32>
    %concatenate3A = tpu.concatenate %add3A_26, %add3A_49 in 1 : vector<512x64xf32>, vector<512x64xf32> -> vector<512x128xf32>
    %swap3A = arith.constant 0 : index
    %swap3A_50 = arith.constant 0 : index
    %swap3A_51 = vector.load %arg12[%swap3A, %swap3A_50] : memref<512x128xf32, #tpu.memory_space<vmem>>, vector<512x128xf32>
    tpu.vector_store %arg12[%swap3A, %swap3A_50], %concatenate3A {strides = array<i32>} : memref<512x128xf32, #tpu.memory_space<vmem>>, vector<512x128xf32>,
    %concatenate3A_52 = tpu.concatenate %dot_general3A_36, %dot_general3A_44 in 1 : vector<512x64xf32>, vector<512x64xf32> -> vector<512x128xf32>
    %neg3A = arith.constant 0.000000e+00 : f32
    %neg3A_53 = vector.broadcast %neg3A : f32 to vector<512x128xf32>
    %neg3A_54 = arith.subf %neg3A_53, %concatenate3A_52 : vector<512x128xf32>
    %swap3A_55 = arith.constant 0 : index
    %swap3A_56 = arith.constant 0 : index
    %swap3A_57 = vector.load %arg13[%swap3A_55, %swap3A_56] : memref<512x128xf32, #tpu.memory_space<vmem>>, vector<512x128xf32>
    tpu.vector_store %arg13[%swap3A_55, %swap3A_56], %neg3A_54 {strides = array<i32>} : memref<512x128xf32, #tpu.memory_space<vmem>>, vector<512x128xf32>,
    %get3A_58 = arith.constant 0 : index
    %get3A_59 = arith.constant 0 : index
    %get3A_60 = vector.load %arg11[%get3A_58, %get3A_59] : memref<128x128xf32, #tpu.memory_space<vmem>>, vector<128x128xf32>
    %dot_general3A_61 = arith.constant dense<0.000000e+00> : vector<512x128xf32>
    %dot_general3A_62 = tpu.matmul %max3A_11, %get3A_60, %dot_general3A_61 {dimension_numbers = #tpu.dot_dimension_numbers<[1], [0], [0], [1], [0, 0, 1, 1], [], []>, precision = #tpu.contract_precision<fp32>, transpose_lhs_hint = false} : vector<512x128xf32>, vector<128x128xf32>, vector<512x128xf32> -> vector<512x128xf32>
    %swap3A_63 = arith.constant 0 : index
    %swap3A_64 = arith.constant 0 : index
    %swap3A_65 = vector.load %arg14[%swap3A_63, %swap3A_64] : memref<512x128xf32, #tpu.memory_space<vmem>>, vector<512x128xf32>
    tpu.vector_store %arg14[%swap3A_63, %swap3A_64], %dot_general3A_62 {strides = array<i32>} : memref<512x128xf32, #tpu.memory_space<vmem>>, vector<512x128xf32>,
    return
  }
  func.func @transform_0(%arg0: i32) -> (i32, i32) {
    %c0_i32 = arith.constant 0 : i32
    %c0_i32_0 = arith.constant 0 : i32
    return %arg0, %c0_i32 : i32, i32
  }
  func.func @transform_1(%arg0: i32) -> (i32, i32) {
    %c0_i32 = arith.constant 0 : i32
    %c0_i32_0 = arith.constant 0 : i32
    return %arg0, %c0_i32 : i32, i32
  }
  func.func @transform_2(%arg0: i32) -> (i32, i32) {
    %c0_i32 = arith.constant 0 : i32
    %c0_i32_0 = arith.constant 0 : i32
    %c0_i32_1 = arith.constant 0 : i32
    return %c0_i32, %c0_i32_0 : i32, i32
  }
  func.func @transform_3(%arg0: i32) -> (i32, i32) {
    %c0_i32 = arith.constant 0 : i32
    %c0_i32_0 = arith.constant 0 : i32
    %c0_i32_1 = arith.constant 0 : i32
    return %c0_i32, %c0_i32_0 : i32, i32
  }
  func.func @transform_4(%arg0: i32) -> (i32, i32) {
    %c0_i32 = arith.constant 0 : i32
    %c0_i32_0 = arith.constant 0 : i32
    %c0_i32_1 = arith.constant 0 : i32
    return %c0_i32, %c0_i32_0 : i32, i32
  }
  func.func @transform_5(%arg0: i32) -> (i32, i32) {
    %c0_i32 = arith.constant 0 : i32
    %c0_i32_0 = arith.constant 0 : i32
    %c0_i32_1 = arith.constant 0 : i32
    return %c0_i32, %c0_i32_0 : i32, i32
  }
  func.func @transform_6(%arg0: i32) -> (i32, i32) {
    %c0_i32 = arith.constant 0 : i32
    %c0_i32_0 = arith.constant 0 : i32
    %c0_i32_1 = arith.constant 0 : i32
    return %c0_i32, %c0_i32_0 : i32, i32
  }
  func.func @transform_7(%arg0: i32) -> (i32, i32) {
    %c0_i32 = arith.constant 0 : i32
    %c0_i32_0 = arith.constant 0 : i32
    %c0_i32_1 = arith.constant 0 : i32
    return %c0_i32, %c0_i32_0 : i32, i32
  }
  func.func @transform_8(%arg0: i32) -> (i32, i32) {
    %c0_i32 = arith.constant 0 : i32
    %c0_i32_0 = arith.constant 0 : i32
    %c0_i32_1 = arith.constant 0 : i32
    return %c0_i32, %c0_i32_0 : i32, i32
  }
  func.func @transform_9(%arg0: i32) -> (i32, i32) {
    %c0_i32 = arith.constant 0 : i32
    %c0_i32_0 = arith.constant 0 : i32
    %c0_i32_1 = arith.constant 0 : i32
    return %c0_i32, %c0_i32_0 : i32, i32
  }
  func.func @transform_10(%arg0: i32) -> (i32, i32) {
    %c0_i32 = arith.constant 0 : i32
    %c0_i32_0 = arith.constant 0 : i32
    %c0_i32_1 = arith.constant 0 : i32
    return %c0_i32, %c0_i32_0 : i32, i32
  }
  func.func @transform_11(%arg0: i32) -> (i32, i32) {
    %c0_i32 = arith.constant 0 : i32
    %c0_i32_0 = arith.constant 0 : i32
    return %arg0, %c0_i32 : i32, i32
  }
  func.func @transform_12(%arg0: i32) -> (i32, i32) {
    %c0_i32 = arith.constant 0 : i32
    %c0_i32_0 = arith.constant 0 : i32
    return %arg0, %c0_i32 : i32, i32
  }
  func.func @transform_13(%arg0: i32) -> (i32, i32) {
    %c0_i32 = arith.constant 0 : i32
    %c0_i32_0 = arith.constant 0 : i32
    return %arg0, %c0_i32 : i32, i32
  }
}

module attributes {stable_mosaic.version = 14 : i64} {
  func.func @_edge_body(%arg0: i32, %arg1: memref<512x128xf32, #tpu.memory_space<vmem>>, %arg2: memref<512x128xf32, #tpu.memory_space<vmem>>, %arg3: memref<128x128xf32, #tpu.memory_space<vmem>>, %arg4: memref<1x128xf32, #tpu.memory_space<vmem>>, %arg5: memref<128x128xf32, #tpu.memory_space<vmem>>, %arg6: memref<1x128xf32, #tpu.memory_space<vmem>>, %arg7: memref<2x512x128xf32, #tpu.memory_space<vmem>>) attributes {dimension_semantics = [#tpu.dimension_semantics<arbitrary>], iteration_bounds = array<i64: 656>, scalar_prefetch = 0 : i64, scratch_operands = 0 : i64, tpu.core_type = #tpu.core_type<tc>, window_params = [{transform_indices = @transform_0, window_bounds = array<i64: 512, 128>}, {transform_indices = @transform_1, window_bounds = array<i64: 512, 128>}, {pipeline_mode = #tpu.pipeline_mode<synchronous>, transform_indices = @transform_2, window_bounds = array<i64: 128, 128>}, {pipeline_mode = #tpu.pipeline_mode<synchronous>, transform_indices = @transform_3, window_bounds = array<i64: 1, 128>}, {pipeline_mode = #tpu.pipeline_mode<synchronous>, transform_indices = @transform_4, window_bounds = array<i64: 128, 128>}, {pipeline_mode = #tpu.pipeline_mode<synchronous>, transform_indices = @transform_5, window_bounds = array<i64: 1, 128>}, {transform_indices = @transform_6, window_bounds = array<i64: 2, 512, 128>}]} {
    %get3A = arith.constant 0 : index
    %get3A_0 = arith.constant 0 : index
    %get3A_1 = vector.load %arg1[%get3A, %get3A_0] : memref<512x128xf32, #tpu.memory_space<vmem>>, vector<512x128xf32>
    %max3A = arith.constant 0.000000e+00 : f32
    %max3A_2 = vector.broadcast %max3A : f32 to vector<512x128xf32>
    %max3A_3 = arith.maximumf %get3A_1, %max3A_2 : vector<512x128xf32>
    %get3A_4 = arith.constant 0 : index
    %get3A_5 = arith.constant 0 : index
    %get3A_6 = vector.load %arg3[%get3A_4, %get3A_5] : memref<128x128xf32, #tpu.memory_space<vmem>>, vector<128x128xf32>
    %dot_general3A = arith.constant dense<0.000000e+00> : vector<512x128xf32>
    %dot_general3A_7 = tpu.matmul %max3A_3, %get3A_6, %dot_general3A {dimension_numbers = #tpu.dot_dimension_numbers<[1], [0], [0], [1], [0, 0, 1, 1], [], []>, precision = #tpu.contract_precision<fp32>, transpose_lhs_hint = false} : vector<512x128xf32>, vector<128x128xf32>, vector<512x128xf32> -> vector<512x128xf32>
    %get3A_8 = arith.constant 0 : index
    %get3A_9 = arith.constant 0 : index
    %get3A_10 = vector.load %arg4[%get3A_8, %get3A_9] : memref<1x128xf32, #tpu.memory_space<vmem>>, vector<1x128xf32>
    %add3A = vector.broadcast %get3A_10 : vector<1x128xf32> to vector<512x128xf32>
    %add3A_11 = arith.addf %dot_general3A_7, %add3A : vector<512x128xf32>
    %max3A_12 = arith.constant 0.000000e+00 : f32
    %max3A_13 = vector.broadcast %max3A_12 : f32 to vector<512x128xf32>
    %max3A_14 = arith.maximumf %add3A_11, %max3A_13 : vector<512x128xf32>
    %get3A_15 = arith.constant 0 : index
    %get3A_16 = arith.constant 0 : index
    %get3A_17 = vector.load %arg5[%get3A_15, %get3A_16] : memref<128x128xf32, #tpu.memory_space<vmem>>, vector<128x128xf32>
    %dot_general3A_18 = arith.constant dense<0.000000e+00> : vector<512x128xf32>
    %dot_general3A_19 = tpu.matmul %max3A_3, %get3A_17, %dot_general3A_18 {dimension_numbers = #tpu.dot_dimension_numbers<[1], [0], [0], [1], [0, 0, 1, 1], [], []>, precision = #tpu.contract_precision<fp32>, transpose_lhs_hint = false} : vector<512x128xf32>, vector<128x128xf32>, vector<512x128xf32> -> vector<512x128xf32>
    %get3A_20 = arith.constant 0 : index
    %get3A_21 = arith.constant 0 : index
    %get3A_22 = vector.load %arg6[%get3A_20, %get3A_21] : memref<1x128xf32, #tpu.memory_space<vmem>>, vector<1x128xf32>
    %add3A_23 = vector.broadcast %get3A_22 : vector<1x128xf32> to vector<512x128xf32>
    %add3A_24 = arith.addf %dot_general3A_19, %add3A_23 : vector<512x128xf32>
    %max3A_25 = arith.constant 0.000000e+00 : f32
    %max3A_26 = vector.broadcast %max3A_25 : f32 to vector<512x128xf32>
    %max3A_27 = arith.maximumf %add3A_24, %max3A_26 : vector<512x128xf32>
    %exp3A = math.exp %max3A_14 : vector<512x128xf32>
    %get3A_28 = arith.constant 0 : index
    %get3A_29 = arith.constant 0 : index
    %get3A_30 = vector.load %arg2[%get3A_28, %get3A_29] : memref<512x128xf32, #tpu.memory_space<vmem>>, vector<512x128xf32>
    %add3A_31 = arith.addf %get3A_30, %max3A_27 : vector<512x128xf32>
    %mul3A = arith.mulf %exp3A, %add3A_31 : vector<512x128xf32>
    %stack3A = vector.shape_cast %exp3A : vector<512x128xf32> to vector<1x512x128xf32>
    %stack3A_32 = vector.shape_cast %mul3A : vector<512x128xf32> to vector<1x512x128xf32>
    %stack3A_33 = tpu.concatenate %stack3A, %stack3A_32 in 0 : vector<1x512x128xf32>, vector<1x512x128xf32> -> vector<2x512x128xf32>
    %swap3A = arith.constant 0 : index
    %swap3A_34 = arith.constant 0 : index
    %swap3A_35 = arith.constant 0 : index
    %swap3A_36 = vector.load %arg7[%swap3A, %swap3A_34, %swap3A_35] : memref<2x512x128xf32, #tpu.memory_space<vmem>>, vector<2x512x128xf32>
    tpu.vector_store %arg7[%swap3A, %swap3A_34, %swap3A_35], %stack3A_33 {strides = array<i32>} : memref<2x512x128xf32, #tpu.memory_space<vmem>>, vector<2x512x128xf32>,
    return
  }
  func.func @transform_0(%arg0: i32) -> (i32, i32) {
    %c0_i32 = arith.constant 0 : i32
    %c0_i32_0 = arith.constant 0 : i32
    return %arg0, %c0_i32 : i32, i32
  }
  func.func @transform_1(%arg0: i32) -> (i32, i32) {
    %c0_i32 = arith.constant 0 : i32
    %c0_i32_0 = arith.constant 0 : i32
    return %arg0, %c0_i32 : i32, i32
  }
  func.func @transform_2(%arg0: i32) -> (i32, i32) {
    %c0_i32 = arith.constant 0 : i32
    %c0_i32_0 = arith.constant 0 : i32
    %c0_i32_1 = arith.constant 0 : i32
    return %c0_i32, %c0_i32_0 : i32, i32
  }
  func.func @transform_3(%arg0: i32) -> (i32, i32) {
    %c0_i32 = arith.constant 0 : i32
    %c0_i32_0 = arith.constant 0 : i32
    %c0_i32_1 = arith.constant 0 : i32
    return %c0_i32, %c0_i32_0 : i32, i32
  }
  func.func @transform_4(%arg0: i32) -> (i32, i32) {
    %c0_i32 = arith.constant 0 : i32
    %c0_i32_0 = arith.constant 0 : i32
    %c0_i32_1 = arith.constant 0 : i32
    return %c0_i32, %c0_i32_0 : i32, i32
  }
  func.func @transform_5(%arg0: i32) -> (i32, i32) {
    %c0_i32 = arith.constant 0 : i32
    %c0_i32_0 = arith.constant 0 : i32
    %c0_i32_1 = arith.constant 0 : i32
    return %c0_i32, %c0_i32_0 : i32, i32
  }
  func.func @transform_6(%arg0: i32) -> (i32, i32, i32) {
    %c0_i32 = arith.constant 0 : i32
    %c0_i32_0 = arith.constant 0 : i32
    %c0_i32_1 = arith.constant 0 : i32
    return %c0_i32, %arg0, %c0_i32_0 : i32, i32, i32
  }
}

module attributes {stable_mosaic.version = 14 : i64} {
  func.func @_epilogue_body(%arg0: i32, %arg1: memref<2x1024x128xf32, #tpu.memory_space<vmem>>, %arg2: memref<128x128xf32, #tpu.memory_space<vmem>>, %arg3: memref<1x128xf32, #tpu.memory_space<vmem>>, %arg4: memref<1024x128xf32, #tpu.memory_space<vmem>>) attributes {dimension_semantics = [#tpu.dimension_semantics<arbitrary>], iteration_bounds = array<i64: 10>, scalar_prefetch = 0 : i64, scratch_operands = 0 : i64, tpu.core_type = #tpu.core_type<tc>, window_params = [{transform_indices = @transform_0, window_bounds = array<i64: 2, 1024, 128>}, {pipeline_mode = #tpu.pipeline_mode<synchronous>, transform_indices = @transform_1, window_bounds = array<i64: 128, 128>}, {pipeline_mode = #tpu.pipeline_mode<synchronous>, transform_indices = @transform_2, window_bounds = array<i64: 1, 128>}, {transform_indices = @transform_3, window_bounds = array<i64: 1024, 128>}]} {
    %get3A = arith.constant 0 : index
    %get3A_0 = arith.constant 0 : index
    %get3A_1 = arith.constant 0 : index
    %get3A_2 = vector.load %arg1[%get3A, %get3A_0, %get3A_1] : memref<2x1024x128xf32, #tpu.memory_space<vmem>>, vector<1x1024x128xf32>
    %get3A_3 = vector.shape_cast %get3A_2 : vector<1x1024x128xf32> to vector<1024x128xf32>
    %get3A_4 = arith.constant 1 : index
    %get3A_5 = arith.constant 0 : index
    %get3A_6 = arith.constant 0 : index
    %get3A_7 = vector.load %arg1[%get3A_4, %get3A_5, %get3A_6] : memref<2x1024x128xf32, #tpu.memory_space<vmem>>, vector<1x1024x128xf32>
    %get3A_8 = vector.shape_cast %get3A_7 : vector<1x1024x128xf32> to vector<1024x128xf32>
    %add3A = arith.constant 1.000000e-16 : f32
    %add3A_9 = vector.broadcast %add3A : f32 to vector<1024x128xf32>
    %add3A_10 = arith.addf %get3A_3, %add3A_9 : vector<1024x128xf32>
    %div3A = arith.divf %get3A_8, %add3A_10 : vector<1024x128xf32>
    %get3A_11 = arith.constant 0 : index
    %get3A_12 = arith.constant 0 : index
    %get3A_13 = vector.load %arg2[%get3A_11, %get3A_12] : memref<128x128xf32, #tpu.memory_space<vmem>>, vector<128x128xf32>
    %dot_general3A = arith.constant dense<0.000000e+00> : vector<1024x128xf32>
    %dot_general3A_14 = tpu.matmul %div3A, %get3A_13, %dot_general3A {dimension_numbers = #tpu.dot_dimension_numbers<[1], [0], [0], [1], [0, 0, 1, 1], [], []>, precision = #tpu.contract_precision<fp32>, transpose_lhs_hint = false} : vector<1024x128xf32>, vector<128x128xf32>, vector<1024x128xf32> -> vector<1024x128xf32>
    %get3A_15 = arith.constant 0 : index
    %get3A_16 = arith.constant 0 : index
    %get3A_17 = vector.load %arg3[%get3A_15, %get3A_16] : memref<1x128xf32, #tpu.memory_space<vmem>>, vector<1x128xf32>
    %add3A_18 = vector.broadcast %get3A_17 : vector<1x128xf32> to vector<1024x128xf32>
    %add3A_19 = arith.addf %dot_general3A_14, %add3A_18 : vector<1024x128xf32>
    %max3A = arith.constant 0.000000e+00 : f32
    %max3A_20 = vector.broadcast %max3A : f32 to vector<1024x128xf32>
    %max3A_21 = arith.maximumf %add3A_19, %max3A_20 : vector<1024x128xf32>
    %swap3A = arith.constant 0 : index
    %swap3A_22 = arith.constant 0 : index
    %swap3A_23 = vector.load %arg4[%swap3A, %swap3A_22] : memref<1024x128xf32, #tpu.memory_space<vmem>>, vector<1024x128xf32>
    tpu.vector_store %arg4[%swap3A, %swap3A_22], %max3A_21 {strides = array<i32>} : memref<1024x128xf32, #tpu.memory_space<vmem>>, vector<1024x128xf32>,
    return
  }
  func.func @transform_0(%arg0: i32) -> (i32, i32, i32) {
    %c0_i32 = arith.constant 0 : i32
    %c0_i32_0 = arith.constant 0 : i32
    %c0_i32_1 = arith.constant 0 : i32
    return %c0_i32, %arg0, %c0_i32_0 : i32, i32, i32
  }
  func.func @transform_1(%arg0: i32) -> (i32, i32) {
    %c0_i32 = arith.constant 0 : i32
    %c0_i32_0 = arith.constant 0 : i32
    %c0_i32_1 = arith.constant 0 : i32
    return %c0_i32, %c0_i32_0 : i32, i32
  }
  func.func @transform_2(%arg0: i32) -> (i32, i32) {
    %c0_i32 = arith.constant 0 : i32
    %c0_i32_0 = arith.constant 0 : i32
    %c0_i32_1 = arith.constant 0 : i32
    return %c0_i32, %c0_i32_0 : i32, i32
  }
  func.func @transform_3(%arg0: i32) -> (i32, i32) {
    %c0_i32 = arith.constant 0 : i32
    %c0_i32_0 = arith.constant 0 : i32
    return %arg0, %c0_i32 : i32, i32
  }
}

</mosaic_0001>

<sc_bundles>
// kernel: kernel.10.cloned.1.call-start
scs
__scs_entry_jumppad:
0x0: {  	(pc) =	sbr.rel $0x88, $3  }
0x1: {  	(tag) =	ssettag $0x0;
	lr =	simm.s32 $0x1  }
0x2: {  	[smem:$0x3F8F] =	sst lr;
	_ =	strace $0xD0000000  }
0x3: {  	_ = 	snop  }
0x4: {  	_ = 	snop  }
0x5: {  	_ = 	snop  }
0x6: {  	_ = 	snop  }
0x7: {  	_ = 	snop  }
__scs_overlays_trampoline_lowered:
0x8: {  	[smem:$0x3F9E] =	sst s0  }
0x9: {  	[smem:$0x3F9F] =	sst s1  }
0xa: {  	[smem:$0x3FA0] =	sst s2  }
0xb: {  	[smem:$0x3FA1] =	sst s3  }
0xc: {  	[smem:$0x3FA2] =	sst s4  }
0xd: {  	[smem:$0x3FA3] =	sst s5  }
0xe: {  	[smem:$0x3FA4] =	sst s6  }
0xf: {  	[smem:$0x3FA5] =	sst s7  }
0x10: {  	[smem:$0x3FA6] =	sst s8  }
0x11: {  	[smem:$0x3FA7] =	sst s9;
	s0 =	simm.s32 @!p0 $0x0  }
0x12: {  	s1 =	sld [smem:$0x3F8D];
	s0 =	simm.s32 @p0 $0x1  }
0x13: {  	[smem:$0x3FA8] =	sst s0;
	s0 =	simm.s32 @!p1 $0x0  }
0x14: {  	s2 =	sld [smem:$0x3F8C];
	s0 =	simm.s32 @p1 $0x1  }
0x15: {  	[smem:$0x3FA9] =	sst s0;
	s0 =	simm.s32 @!p2 $0x0  }
0x16: {  	s3 =	sld [smem:$0x3FDB];
	s0 =	simm.s32 @p2 $0x1  }
0x17: {  	s4 =	simm.s32 $0x1BF5;
	[smem:$0x3FAB] =	sst s0  }
0x18: {  	s0 =	sld [smem:$0x3F8E];
	_ =	swait.ge [sflag:s4], $0x0  }
0x19: {  	s7 =	sld [smem:$0x3F8F]  }
0x1a: {  	s8 =	sadd.s32 $0xFFFFE003, lr  }
0x1b: {  	s9 =	sadd.s32 $0xFFFFFEF7, lr;
	s5 =	simm.s32 $0xFFFFFFFF;
	p2 =	slt.u32 s8, $0xFFFFF086  }
0x1c: {  	p1 =	slt.u32 s9, $0xF7A;
	s5 =	simm.s32 @!p2 $0x0  }
0x1d: {  	s5 =	simm.s32 @p1 $0x1;
	p0 =	seq.s32 s7, s2  }
0x1e: {  	s7 =	smul.u32 @!p0 $0xF7A, s2;
	p2 =	seq.s32 @!p0 s5, $0x0  }
0x1f: {  	s9 =	smul.u32 $0xF7A, s1;
	s8 =	simm.s32 @!p0 $0x1BF5;
	p2 =	por !p2, p0  }
0x20: {  	[sflag:s8] =	ssyncset.s32 @!p0 $0xFFFFF086;
	s6 =	sadd.s32 @!p0 s3, s7;
	s7 =	simm.s32 @!p0 $0x108  }
0x21: {  	s3 =	sadd.s32 s3, s9;
	s6 =	sadd.s32 @!p0 $0x88, s6;
	s7 =	simm.s32 @p2 $0x1082  }
0x22: {  	[simem:s7], [sflag:s8] =	dma.local @!p0 [hbm:s6], $0xF7A  }
0x23: {  	s9 =	sor.u32 $0xD0000000, s2;
	s6 =	simm.s32 $0x108;
	_ =	swait.ge @!p0 [sflag:s8], $0x0  }
0x24: {  	s3 =	sadd.s32 $0x88, s3;
	s6 =	simm.s32 @!p1 $0x1082;
	[sflag:s4] =	ssyncset.s32 $0xFFFFF086  }
0x25: {  	[simem:s6], [sflag:s4] =	dma.local [hbm:s3], $0xF7A  }
0x26: {  	[smem:$0x3F8F] =	sst s1;
	(tag) =	ssettag s2;
	_ =	strace s9  }
0x27: {  	s1 =	sld [smem:$0x3F9F]  }
0x28: {  	s2 =	sld [smem:$0x3FA0]  }
0x29: {  	s4 =	sld [smem:$0x3FA2]  }
0x2a: {  	p0 =	seq.s32 s5, $0x0;
	s5 =	sld [smem:$0x3FA3]  }
0x2b: {  	s6 =	sld [smem:$0x3FA4]  }
0x2c: {  	s7 =	sld [smem:$0x3FA5]  }
0x2d: {  	s3 =	simm.s32 $0x108;
	s8 =	sld [smem:$0x3FA6]  }
0x2e: {  	s3 =	simm.s32 @!p0 $0x1082;
	s9 =	sld [smem:$0x3FA7]  }
0x2f: {  	lr =	sadd.s32 s0, s3;
	s0 =	sld [smem:$0x3F9E]  }
0x30: {  	s3 =	sld [smem:$0x3FA1]  }
0x31: {  	[smem:$0x3FAA] =	sst s10  }
0x32: {  	s10 =	sld [smem:$0x3FA8];
	_ =	sdelay $0x3  }
0x33: {  	p0 =	seq.s32 s10, $0x1;
	s10 =	sld [smem:$0x3FAA];
	_ =	sdelay $0x3  }
0x34: {  	[smem:$0x3FAA] =	sst s10  }
0x35: {  	s10 =	sld [smem:$0x3FA9];
	_ =	sdelay $0x3  }
0x36: {  	p1 =	seq.s32 s10, $0x1;
	s10 =	sld [smem:$0x3FAA];
	_ =	sdelay $0x3  }
0x37: {  	[smem:$0x3FAA] =	sst s10  }
0x38: {  	s10 =	sld [smem:$0x3FAB]  }
0x39: {  	_ = 	snop;
	(pc) =	sbr.ind lr, $3  }
0x3a: {  	_ = 	snop  }
0x3b: {  	_ = 	snop  }
0x3c: {  	p2 =	seq.s32 s10, $0x1;
	s10 =	sld [smem:$0x3FAA]  }
0x3d: {  	_ =	shalt  }
0x3e: {  	_ =	shalt  }
0x3f: {  	_ =	shalt  }
0x40: {  	_ =	shalt  }
0x41: {  	_ =	shalt  }
0x42: {  	_ =	shalt  }
0x43: {  	_ =	shalt  }
0x44: {  	_ =	shalt  }
0x45: {  	_ =	shalt  }
0x46: {  	_ =	shalt  }
0x47: {  	_ =	shalt  }
0x48: {  	_ =	shalt  }
0x49: {  	_ =	shalt  }
0x4a: {  	_ =	shalt  }
0x4b: {  	_ =	shalt  }
0x4c: {  	_ =	shalt  }
0x4d: {  	_ =	shalt  }
0x4e: {  	_ =	shalt  }
0x4f: {  	_ =	shalt  }
0x50: {  	_ =	shalt  }
0x51: {  	_ =	shalt  }
0x52: {  	_ =	shalt  }
0x53: {  	_ =	shalt  }
0x54: {  	_ =	shalt  }
0x55: {  	_ =	shalt  }
0x56: {  	_ =	shalt  }
0x57: {  	_ =	shalt  }
0x58: {  	_ =	shalt  }
0x59: {  	_ =	shalt  }
0x5a: {  	_ =	shalt  }
0x5b: {  	_ =	shalt  }
0x5c: {  	_ =	shalt  }
0x5d: {  	_ =	shalt  }
0x5e: {  	_ =	shalt  }
0x5f: {  	_ =	shalt  }
0x60: {  	_ =	shalt  }
0x61: {  	_ =	shalt  }
0x62: {  	_ =	shalt  }
0x63: {  	_ =	shalt  }
0x64: {  	_ =	shalt  }
0x65: {  	_ =	shalt  }
0x66: {  	_ =	shalt  }
0x67: {  	_ =	shalt  }
0x68: {  	_ =	shalt  }
0x69: {  	_ =	shalt  }
0x6a: {  	_ =	shalt  }
0x6b: {  	_ =	shalt  }
0x6c: {  	_ =	shalt  }
0x6d: {  	_ =	shalt  }
0x6e: {  	_ =	shalt  }
0x6f: {  	_ =	shalt  }
0x70: {  	_ =	shalt  }
0x71: {  	_ =	shalt  }
0x72: {  	_ =	shalt  }
0x73: {  	_ =	shalt  }
0x74: {  	_ =	shalt  }
0x75: {  	_ =	shalt  }
0x76: {  	_ =	shalt  }
0x77: {  	_ =	shalt  }
0x78: {  	_ =	shalt  }
0x79: {  	_ =	shalt  }
0x7a: {  	_ =	shalt  }
0x7b: {  	_ =	shalt  }
0x7c: {  	_ =	shalt  }
0x7d: {  	_ =	shalt  }
0x7e: {  	_ =	shalt  }
0x7f: {  	_ =	shalt  }
0x80: {  	_ =	shalt  }
0x81: {  	_ =	shalt  }
0x82: {  	_ =	shalt  }
0x83: {  	_ =	shalt  }
0x84: {  	_ =	shalt  }
0x85: {  	_ =	shalt  }
0x86: {  	_ =	shalt  }
0x87: {  	_ =	shalt  }
.Lfunc_end0:
.L_simem_size_0:
called_computation.1_lowered:
.L_overlay_start_0:
0x88: {  	s2 =	sld [smem:$0x3FD9]  }
0x89: {  	s3 =	sld [smem:$0x3FFE];
	_ =	sdelay $0x1  }
0x8a: {  	s1 =	srdreg.scid  }
0x8b: {  	s0 =	sand.u32 $0x1, s1  }
0x8c: {  	s17 =	sshll.u32 s0, $0xA;
	s2 =	sadd.s32 s3, s2  }
0x8d: {  	s2 =	sadd.s32 s2, s17  }
0x8e: {  	[smem:$0x3FB6] =	sst s2  }
0x8f: {  	_ = 	snop  }
0x90: {  	s2 =	sld [smem:$0x3FD0];
	(tm) =	ssettm $0x1  }
0x91: {  	s18 =	sld [smem:$0x3FFB];
	_ =	sdelay $0x3  }
0x92: {  	_ =	strace s18  }
0x93: {  	s3 =	sld [smem:$0x3FFC];
	_ =	sdelay $0x3  }
0x94: {  	_ =	strace s3  }
0x95: {  	s3 =	sld [smem:$0x3FFD];
	_ =	sdelay $0x3  }
0x96: {  	_ =	strace s3  }
0x97: {  	_ =	strace $0x8FFFFFFF  }
0x98: {  	s19 =	sld [smem:$0x3FDB];
	_ =	sdelay $0x1  }
0x99: {  	s4 =	simm.s32 $_scs_section_size  }
0x9a: {  	s5 =	simm.s32 $_size__tile_overlayer_lowered;
	s6 =	simm.s32 $_tile_overlayer_lowered  }
0x9b: {  	s22 =	simm.s32 $0x1BFF;
	s21 =	sshll.u32 s6, $0x1;
	s3 =	sadd.s32 s4, s19  }
0x9c: {  	s7 =	simm.s32 $0x0;
	s20 =	sshll.u32 s5, $0x1;
	s5 =	sadd.s32 s21, s3  }
0x9d: {  	[timem:s7], [sflag:s22] =	dma.local [hbm:s5], s20  }
0x9e: {  	_ =	swait.ge [sflag:s22], s20  }
0x9f: {  	s4 =	ssub.s32 $0x0, s20;
	[sflag:s22] =	ssyncset.done $0x0  }
0xa0: {  	[sflag:s22] =	ssyncadd.s32 s4;
	_ =	sdelay $0x1  }
0xa1: {  	s23 =	simm.s32 $0x1B8B  }
0xa2: {  	_ =	swait.ge [sflag:s23], $0x1  }
0xa3: {  	[sflag:s23] =	ssyncset.done $0x0  }
0xa4: {  	s25 =	simm.s32 $0x1B8E;
	s24 =	sld [smem:$0x3FFE];
	[sflag:s23] =	ssyncadd.s32 $0xFFFFFFFF  }
0xa5: {  	s26 =	simm.s32 $execute0_lowered;
	[smem:$0x3FD2] =	sst s25  }
0xa6: {  	s5 =	sshll.u32 s26, $0x1;
	_ =	strace $0x80000049;
	[dreg:$0x1] =	wrdreg $0xFFFFFFFF  }
0xa7: {  	s28 =	simm.s32 $_size_execute0_lowered;
	s3 =	sadd.s32 s3, s5;
	[dreg:$0x0] =	wrdreg $0x0  }
0xa8: {  	s5 =	sshll.u32 s28, $0x1;
	[dreg:$0x2] =	wrdreg s3  }
0xa9: {  	[dreg:$0x3] =	wrdreg s5  }
0xaa: {  	[dreg:$0x4] =	wrdreg $0xC0  }
0xab: {  	_ =	task [dreg:s7], $0x5FFFF  }
0xac: {  	[dreg:$0x1] =	wrdreg $0xFFFFFFFF  }
0xad: {  	[dreg:$0x0] =	wrdreg $0x60  }
0xae: {  	[dreg:$0x2] =	wrdreg s2  }
0xaf: {  	[dreg:$0x3] =	wrdreg s24  }
0xb0: {  	[dreg:$0x4] =	wrdreg $0x81000  }
0xb1: {  	[dreg:$0x5] =	wrdreg $0x9  }
0xb2: {  	_ =	task.clear_ibuf [dreg:s7], $0x6FFFF;
	_ =	strace $0x90000049  }
0xb3: {  	s29 =	simm.s32 $0x9;
	_ =	strace $0x8000004B  }
0xb4: {  	_ =	swait.ge [sflag:s29], $0x1  }
0xb5: {  	[sflag:s29] =	ssyncadd.s32 $0xFFFFFFFF  }
0xb6: {  	_ =	strace $0x9000004B  }
0xb7: {  	_ =	sfence  }
0xb8: {  	s30 =	sld [smem:$0x0];
	_ =	sdelay $0x2  }
0xb9: {  	s31 =	sshll.u32 s1, $0xD;
	s1 =	sshrl.u32 s1, $0x2  }
0xba: {  	s3 =	sand.u32 $0x4000, s31;
	s1 =	sadd.s32 s1, s30  }
0xbb: {  	s0 =	sor.u32 s3, s0;
	s1 =	sshll.u32 s1, $0x11  }
0xbc: {  	s0 =	sor.u32 s1, s0  }
0xbd: {  	s0 =	sadd.s32 $0x8F2B, s0  }
0xbe: {  	[sflag:s0] =	ssyncadd.remote.s32 $0x1  }
0xbf: {  	_ =	sfence.sel $0xFFFF  }
0xc0: {  	[dreg:$0x0] =	wrdreg $0xFFFFFFFF;
	(pc) =	sbr.abs _section_cstart, $3  }
0xc1: {  	[dreg:$0x1] =	wrdreg $0xFFFFFFFF  }
0xc2: {  	_ =	task.clear_ibuf [dreg:s7], $0x2FFFF;
	_ =	strace $0x9FFFFFFF  }
0xc3: {  	(tm) =	ssettm $0x7FFFFFFF  }
tec
execute0_lowered:
.L_overlay_start_1:
0x0: {  	(tag) =	ssettag $0x1  }
0x1: {  	s9 =	rddreg [dreg:$0x0]  }
0x2: {  	s0 =	srdreg.scid;
	s4 =	rddreg [dreg:$0x1]  }
0x3: {  	s2 =	rddreg [dreg:$0x2];
	s5 =	sand.u32 $0x1, s0  }
0x4: {  	s0 =	stileid.u32;
	s6 =	smul.u32 $0x2900000, s5  }
0x5: {  	s1 =	rddreg [dreg:$0x3];
	s3 =	simm.s32 $0x0;
	s7 =	smul.u32 $0x290000, s0  }
0x6: {  	s13 =	simm.s32 $0x80;
	s14 =	simm.s32 $0x4100;
	s28 =	smul.u32 $0x14000, s0  }
0x7: {  	s15 =	simm.s32 $0x1;
	[smem:$0x7FF] =	sst s3;
	s8 =	smul.u32 $0x140000, s5  }
0x8: {  	s16 =	simm.s32 $0x0;
	_ =	strace $0x8000004A;
	s11 =	smul.u32 $0x50000, s0  }
0x9: {  	s5 =	ssub.s32 $0x2, s5;
	s31 =	sshll.u32 s0, $0x6;
	s12 =	smul.u32 $0xA40, s0  }
0xa: {  	s30 =	sshrl.u32 s5, $0x1;
	s6 =	sadd.s32 s7, s6;
	s29 =	sshrl.u32 s28, $0x3  }
0xb: {  	s7 =	sadd.s32 s28, s8;
	s11 =	sshrl.u32 s11, $0x2;
	s8 =	ssub.s32 s5, s30  }
0xc: {  	s5 =	sor.u32 $0x1C02, s31;
	s9 =	sadd.s32 s12, s9;
	s12 =	simm.s32 $0x100  }
0xd: {  	s6 =	sshrl.u32 s6, $0x3;
	s7 =	sshrl.u32 s7, $0x3;
	s11 =	sadd.s32 s11, s2  }
0xe: {  	s10 =	sadd.s32 s6, s4;
	s6 =	sadd.s32 s29, s4;
	s7 =	sadd.s32 s7, s4  }
0xf: {  	s4 =	sadd.s32 $0x3600, s6;
	s6 =	sadd.s32 $0x2B600, s7;
	s7 =	smax.u32 s8, $0x1  }
0x10: {  	s8 =	sadd.s32 $0xACFE00, s10;
	s10 =	sshrl.u32 s11, $0x3;
	s11 =	simm.s32 $0x2  }
.LBB2_1:
0x11: {  	[spmem:s10], [sflag:s5] =	dma.local [hbm:s4], $0x2800  }
0x12: {  	_ =	swait.ge [sflag:s11], $0x2800  }
0x13: {  	[sflag:s11] =	ssyncset.done $0x0  }
0x14: {  	[sflag:s11] =	ssyncadd.s32 $0xFFFFD800  }
0x15: {  	s17 =	sadd.s32 $0x0, s9;
	[bflag:$0x0] =	sbarrier.arrive $0xFFFF  }
0x16: {  	[tilespmem:s3], [sflag:$0x2] =	stream.linear.gather [hbm4b:s17+s3], $0x100, $0x38;
	[tilespmem:$0x1C100] =	vst v63  }
0x17: {  	_ =	swait.ge [sflag:s11], $0x100  }
0x18: {  	[sflag:s11] =	ssyncset.done $0x0  }
0x19: {  	[sflag:s11] =	ssyncadd.s32 $0xFFFFFF00  }
0x1a: {  	[tilespmem:s12], [sflag:$0x2] =	stream.linear.gather [hbm4b:s8+s3], $0x8000, $0x38;
	[tilespmem:$0x1C100] =	vst v63  }
0x1b: {  	_ =	swait.ge [sflag:s11], $0x8000  }
0x1c: {  	[sflag:s11] =	ssyncset.done $0x0  }
0x1d: {  	[sflag:s11] =	ssyncadd.s32 $0xFFFF8000  }
0x1e: {  	[spmem:s2] =	stream.indirect.scatter.add.f32 [tilespmem:s12], [sflag:$0x1], $0x80, s3, s13, $0xb8;
	[tilespmem:$0x1C100] =	vst v63  }
0x1f: {  	_ = 	snop  }
0x20: {  	[spmem:s2] =	stream.indirect.scatter.add.f32 [tilespmem:s14], [sflag:$0x1], $0x80, s13, s13, $0xb8;
	[tilespmem:$0x1C100] =	vst v63  }
0x21: {  	_ =	swait.ge [sflag:s15], $0x4000  }
0x22: {  	[sflag:s15] =	ssyncset.done $0x0  }
0x23: {  	[sflag:s15] =	ssyncadd.s32 $0xFFFFC000  }
0x24: {  	s18 =	simm.s32 $0x20;
	_ =	swait.ge [sflag:s15], $0x4000  }
0x25: {  	s19 =	simm.s32 $0x40;
	s17 =	sadd.s32 $0x1000, s8;
	[sflag:s15] =	ssyncset.done $0x0  }
.LBB2_2:
0x26: {  	s20 =	sadd.s32 s18, s9  }
0x27: {  	[sflag:s15] =	ssyncadd.s32 $0xFFFFC000;
	s18 =	smov.u32 s19;
	s21 =	sadd.s32 $0x20, s19  }
0x28: {  	[tilespmem:s3], [sflag:$0x2] =	stream.linear.gather [hbm4b:s20+s3], $0x100, $0x38;
	[tilespmem:$0x1C100] =	vst v63  }
0x29: {  	p0 =	sne.s32 s19, $0xA20;
	_ =	swait.ge [sflag:s11], $0x100  }
0x2a: {  	[sflag:s11] =	ssyncset.done $0x0  }
0x2b: {  	[sflag:s11] =	ssyncadd.s32 $0xFFFFFF00  }
0x2c: {  	[tilespmem:s12], [sflag:$0x2] =	stream.linear.gather [hbm4b:s17+s3], $0x8000, $0x38;
	[tilespmem:$0x1C100] =	vst v63  }
0x2d: {  	_ =	swait.ge [sflag:s11], $0x8000  }
0x2e: {  	[sflag:s11] =	ssyncset.done $0x0  }
0x2f: {  	[sflag:s11] =	ssyncadd.s32 $0xFFFF8000  }
0x30: {  	[spmem:s2] =	stream.indirect.scatter.add.f32 [tilespmem:s12], [sflag:$0x1], $0x80, s3, s13, $0xb8;
	[tilespmem:$0x1C100] =	vst v63  }
0x31: {  	_ = 	snop  }
0x32: {  	[spmem:s2] =	stream.indirect.scatter.add.f32 [tilespmem:s14], [sflag:$0x1], $0x80, s13, s13, $0xb8;
	[tilespmem:$0x1C100] =	vst v63  }
.Ltmp0:
0x33: {  	_ =	swait.ge [sflag:s15], $0x4000;
	(pc) =	sbr.rel @p0 .LBB2_2-.Ltmp0, $4  }
0x34: {  	[sflag:s15] =	ssyncset.done $0x0  }
0x35: {  	[sflag:s15] =	ssyncadd.s32 $0xFFFFC000  }
0x36: {  	_ =	swait.ge [sflag:s15], $0x4000  }
0x37: {  	s19 =	smov.u32 s21;
	s17 =	sadd.s32 $0x1000, s17;
	[sflag:s15] =	ssyncset.done $0x0  }
0x38: {  	s18 =	sadd.s32 s18, s9;
	[sflag:s15] =	ssyncadd.s32 $0xFFFFC000  }
0x39: {  	[tilespmem:s3], [sflag:$0x2] =	stream.linear.gather [hbm4b:s18+s3], $0x100, $0x38;
	[tilespmem:$0x1C100] =	vst v63  }
0x3a: {  	_ =	swait.ge [sflag:s11], $0x100  }
0x3b: {  	[sflag:s11] =	ssyncset.done $0x0  }
0x3c: {  	[sflag:s11] =	ssyncadd.s32 $0xFFFFFF00  }
0x3d: {  	[tilespmem:s12], [sflag:$0x2] =	stream.linear.gather [hbm4b:s17+s3], $0x8000, $0x38;
	[tilespmem:$0x1C100] =	vst v63  }
0x3e: {  	_ =	swait.ge [sflag:s11], $0x8000  }
0x3f: {  	[sflag:s11] =	ssyncset.done $0x0  }
0x40: {  	[sflag:s11] =	ssyncadd.s32 $0xFFFF8000  }
0x41: {  	[spmem:s2] =	stream.indirect.scatter.add.f32 [tilespmem:s12], [sflag:$0x1], $0x80, s3, s13, $0xb8;
	[tilespmem:$0x1C100] =	vst v63  }
0x42: {  	_ = 	snop  }
0x43: {  	[spmem:s2] =	stream.indirect.scatter.add.f32 [tilespmem:s14], [sflag:$0x1], $0x80, s13, s13, $0xb8;
	[tilespmem:$0x1C100] =	vst v63  }
0x44: {  	_ =	swait.ge [sflag:s15], $0x4000  }
0x45: {  	[sflag:s15] =	ssyncset.done $0x0  }
0x46: {  	[sflag:s15] =	ssyncadd.s32 $0xFFFFC000  }
0x47: {  	_ =	swait.ge [sflag:s15], $0x4000  }
0x48: {  	s16 =	sadd.s32 $0x1, s16;
	[sflag:s15] =	ssyncset.done $0x0  }
0x49: {  	p0 =	sne.s32 s16, s7;
	[sflag:s15] =	ssyncadd.s32 $0xFFFFC000  }
.Ltmp1:
0x4a: {  	[bflag:$0x0] =	sbarrier.arrive $0xFFFF;
	(pc) =	sbr.rel @p0 .LBB2_1-.Ltmp1, $4  }
0x4b: {  	[hbm:s6], [sflag:s5] =	dma.local [spmem:s10], $0x2800  }
0x4c: {  	_ =	swait.ge [sflag:s11], $0x2800  }
0x4d: {  	[sflag:s11] =	ssyncset.done $0x0  }
0x4e: {  	[sflag:s11] =	ssyncadd.s32 $0xFFFFD800  }
0x4f: {  	_ =	sfence.sel $0x180000  }
0x50: {  	[bflag:$0x0] =	sbarrier.arrive $0xFFFF  }
0x51: {  	p0 =	sne.s32 s0, $0x0;
	_ =	strace $0x9000004A  }
0x52: {  	s0 =	sadd.s32 @!p0 $0x100000, s1;
	[bflag:$0x2] =	sbarrier.arrive $0xFFFF  }
0x53: {  	[sflag:s0] =	ssyncadd.tile.s32 @!p0 $0x1;
	_ =	shalt  }
.Lfunc_end2:
_tile_overlayer_lowered:
.L_overlay_start_2:
0x54: {  	(tag) =	ssettag $0x2  }
0x55: {  	s0 =	rddreg [dreg:$0x0];
	s2 =	stileid.u32  }
0x56: {  	s1 =	rddreg [dreg:$0x1];
	p0 =	sne.s32 s2, $0x0  }
0x57: {  	s3 =	rddreg [dreg:$0x2];
	[bflag:$0x3] =	sbarrier.arrive $0xFFFF;
	s2 =	simm.s32 @!p0 $0x1C02  }
0x58: {  	[timem:s3], [sflag:s2] =	dma.local @!p0 [hbm:s0], s1  }
0x59: {  	s0 =	simm.s32 @!p0 $0x2  }
0x5a: {  	_ =	swait.ge @!p0 [sflag:s0], s1  }
0x5b: {  	s1 =	ssub.s32 @!p0 $0x0, s1;
	[sflag:s0] =	ssyncset.done @!p0 $0x0  }
0x5c: {  	[sflag:s0] =	ssyncadd.s32 @!p0 s1  }
0x5d: {  	[bflag:$0x3] =	sbarrier.arrive $0xFFFF  }
0x5e: {  	_ =	shalt  }

// kernel: kernel.7.cloned.1.call-start
scs
__scs_entry_jumppad:
0x0: {  	(pc) =	sbr.rel $0x88, $3  }
0x1: {  	(tag) =	ssettag $0x0;
	lr =	simm.s32 $0x1  }
0x2: {  	[smem:$0x3F8F] =	sst lr;
	_ =	strace $0xD0000000  }
0x3: {  	_ = 	snop  }
0x4: {  	_ = 	snop  }
0x5: {  	_ = 	snop  }
0x6: {  	_ = 	snop  }
0x7: {  	_ = 	snop  }
__scs_overlays_trampoline_lowered:
0x8: {  	[smem:$0x3F9E] =	sst s0  }
0x9: {  	[smem:$0x3F9F] =	sst s1  }
0xa: {  	[smem:$0x3FA0] =	sst s2  }
0xb: {  	[smem:$0x3FA1] =	sst s3  }
0xc: {  	[smem:$0x3FA2] =	sst s4  }
0xd: {  	[smem:$0x3FA3] =	sst s5  }
0xe: {  	[smem:$0x3FA4] =	sst s6  }
0xf: {  	[smem:$0x3FA5] =	sst s7  }
0x10: {  	[smem:$0x3FA6] =	sst s8  }
0x11: {  	[smem:$0x3FA7] =	sst s9;
	s0 =	simm.s32 @!p0 $0x0  }
0x12: {  	s1 =	sld [smem:$0x3F8D];
	s0 =	simm.s32 @p0 $0x1  }
0x13: {  	[smem:$0x3FA8] =	sst s0;
	s0 =	simm.s32 @!p1 $0x0  }
0x14: {  	s2 =	sld [smem:$0x3F8C];
	s0 =	simm.s32 @p1 $0x1  }
0x15: {  	[smem:$0x3FA9] =	sst s0;
	s0 =	simm.s32 @!p2 $0x0  }
0x16: {  	s3 =	sld [smem:$0x3FDB];
	s0 =	simm.s32 @p2 $0x1  }
0x17: {  	s4 =	simm.s32 $0x1BF5;
	[smem:$0x3FAB] =	sst s0  }
0x18: {  	s0 =	sld [smem:$0x3F8E];
	_ =	swait.ge [sflag:s4], $0x0  }
0x19: {  	s7 =	sld [smem:$0x3F8F]  }
0x1a: {  	s8 =	sadd.s32 $0xFFFFE003, lr  }
0x1b: {  	s9 =	sadd.s32 $0xFFFFFEF7, lr;
	s5 =	simm.s32 $0xFFFFFFFF;
	p2 =	slt.u32 s8, $0xFFFFF086  }
0x1c: {  	p1 =	slt.u32 s9, $0xF7A;
	s5 =	simm.s32 @!p2 $0x0  }
0x1d: {  	s5 =	simm.s32 @p1 $0x1;
	p0 =	seq.s32 s7, s2  }
0x1e: {  	s7 =	smul.u32 @!p0 $0xF7A, s2;
	p2 =	seq.s32 @!p0 s5, $0x0  }
0x1f: {  	s9 =	smul.u32 $0xF7A, s1;
	s8 =	simm.s32 @!p0 $0x1BF5;
	p2 =	por !p2, p0  }
0x20: {  	[sflag:s8] =	ssyncset.s32 @!p0 $0xFFFFF086;
	s6 =	sadd.s32 @!p0 s3, s7;
	s7 =	simm.s32 @!p0 $0x108  }
0x21: {  	s3 =	sadd.s32 s3, s9;
	s6 =	sadd.s32 @!p0 $0x88, s6;
	s7 =	simm.s32 @p2 $0x1082  }
0x22: {  	[simem:s7], [sflag:s8] =	dma.local @!p0 [hbm:s6], $0xF7A  }
0x23: {  	s9 =	sor.u32 $0xD0000000, s2;
	s6 =	simm.s32 $0x108;
	_ =	swait.ge @!p0 [sflag:s8], $0x0  }
0x24: {  	s3 =	sadd.s32 $0x88, s3;
	s6 =	simm.s32 @!p1 $0x1082;
	[sflag:s4] =	ssyncset.s32 $0xFFFFF086  }
0x25: {  	[simem:s6], [sflag:s4] =	dma.local [hbm:s3], $0xF7A  }
0x26: {  	[smem:$0x3F8F] =	sst s1;
	(tag) =	ssettag s2;
	_ =	strace s9  }
0x27: {  	s1 =	sld [smem:$0x3F9F]  }
0x28: {  	s2 =	sld [smem:$0x3FA0]  }
0x29: {  	s4 =	sld [smem:$0x3FA2]  }
0x2a: {  	p0 =	seq.s32 s5, $0x0;
	s5 =	sld [smem:$0x3FA3]  }
0x2b: {  	s6 =	sld [smem:$0x3FA4]  }
0x2c: {  	s7 =	sld [smem:$0x3FA5]  }
0x2d: {  	s3 =	simm.s32 $0x108;
	s8 =	sld [smem:$0x3FA6]  }
0x2e: {  	s3 =	simm.s32 @!p0 $0x1082;
	s9 =	sld [smem:$0x3FA7]  }
0x2f: {  	lr =	sadd.s32 s0, s3;
	s0 =	sld [smem:$0x3F9E]  }
0x30: {  	s3 =	sld [smem:$0x3FA1]  }
0x31: {  	[smem:$0x3FAA] =	sst s10  }
0x32: {  	s10 =	sld [smem:$0x3FA8];
	_ =	sdelay $0x3  }
0x33: {  	p0 =	seq.s32 s10, $0x1;
	s10 =	sld [smem:$0x3FAA];
	_ =	sdelay $0x3  }
0x34: {  	[smem:$0x3FAA] =	sst s10  }
0x35: {  	s10 =	sld [smem:$0x3FA9];
	_ =	sdelay $0x3  }
0x36: {  	p1 =	seq.s32 s10, $0x1;
	s10 =	sld [smem:$0x3FAA];
	_ =	sdelay $0x3  }
0x37: {  	[smem:$0x3FAA] =	sst s10  }
0x38: {  	s10 =	sld [smem:$0x3FAB]  }
0x39: {  	_ = 	snop;
	(pc) =	sbr.ind lr, $3  }
0x3a: {  	_ = 	snop  }
0x3b: {  	_ = 	snop  }
0x3c: {  	p2 =	seq.s32 s10, $0x1;
	s10 =	sld [smem:$0x3FAA]  }
0x3d: {  	_ =	shalt  }
0x3e: {  	_ =	shalt  }
0x3f: {  	_ =	shalt  }
0x40: {  	_ =	shalt  }
0x41: {  	_ =	shalt  }
0x42: {  	_ =	shalt  }
0x43: {  	_ =	shalt  }
0x44: {  	_ =	shalt  }
0x45: {  	_ =	shalt  }
0x46: {  	_ =	shalt  }
0x47: {  	_ =	shalt  }
0x48: {  	_ =	shalt  }
0x49: {  	_ =	shalt  }
0x4a: {  	_ =	shalt  }
0x4b: {  	_ =	shalt  }
0x4c: {  	_ =	shalt  }
0x4d: {  	_ =	shalt  }
0x4e: {  	_ =	shalt  }
0x4f: {  	_ =	shalt  }
0x50: {  	_ =	shalt  }
0x51: {  	_ =	shalt  }
0x52: {  	_ =	shalt  }
0x53: {  	_ =	shalt  }
0x54: {  	_ =	shalt  }
0x55: {  	_ =	shalt  }
0x56: {  	_ =	shalt  }
0x57: {  	_ =	shalt  }
0x58: {  	_ =	shalt  }
0x59: {  	_ =	shalt  }
0x5a: {  	_ =	shalt  }
0x5b: {  	_ =	shalt  }
0x5c: {  	_ =	shalt  }
0x5d: {  	_ =	shalt  }
0x5e: {  	_ =	shalt  }
0x5f: {  	_ =	shalt  }
0x60: {  	_ =	shalt  }
0x61: {  	_ =	shalt  }
0x62: {  	_ =	shalt  }
0x63: {  	_ =	shalt  }
0x64: {  	_ =	shalt  }
0x65: {  	_ =	shalt  }
0x66: {  	_ =	shalt  }
0x67: {  	_ =	shalt  }
0x68: {  	_ =	shalt  }
0x69: {  	_ =	shalt  }
0x6a: {  	_ =	shalt  }
0x6b: {  	_ =	shalt  }
0x6c: {  	_ =	shalt  }
0x6d: {  	_ =	shalt  }
0x6e: {  	_ =	shalt  }
0x6f: {  	_ =	shalt  }
0x70: {  	_ =	shalt  }
0x71: {  	_ =	shalt  }
0x72: {  	_ =	shalt  }
0x73: {  	_ =	shalt  }
0x74: {  	_ =	shalt  }
0x75: {  	_ =	shalt  }
0x76: {  	_ =	shalt  }
0x77: {  	_ =	shalt  }
0x78: {  	_ =	shalt  }
0x79: {  	_ =	shalt  }
0x7a: {  	_ =	shalt  }
0x7b: {  	_ =	shalt  }
0x7c: {  	_ =	shalt  }
0x7d: {  	_ =	shalt  }
0x7e: {  	_ =	shalt  }
0x7f: {  	_ =	shalt  }
0x80: {  	_ =	shalt  }
0x81: {  	_ =	shalt  }
0x82: {  	_ =	shalt  }
0x83: {  	_ =	shalt  }
0x84: {  	_ =	shalt  }
0x85: {  	_ =	shalt  }
0x86: {  	_ =	shalt  }
0x87: {  	_ =	shalt  }
.Lfunc_end0:
.L_simem_size_0:
called_computation_lowered:
.L_overlay_start_0:
0x88: {  	s2 =	sld [smem:$0x3FD9]  }
0x89: {  	s3 =	sld [smem:$0x3FFE];
	_ =	sdelay $0x1  }
0x8a: {  	s1 =	srdreg.scid  }
0x8b: {  	s0 =	sand.u32 $0x1, s1  }
0x8c: {  	s16 =	sshll.u32 s0, $0xA;
	s2 =	sadd.s32 s3, s2  }
0x8d: {  	s2 =	sadd.s32 s2, s16  }
0x8e: {  	[smem:$0x3FB6] =	sst s2  }
0x8f: {  	_ = 	snop  }
0x90: {  	(tm) =	ssettm $0x1  }
0x91: {  	s17 =	sld [smem:$0x3FFB];
	_ =	sdelay $0x3  }
0x92: {  	_ =	strace s17  }
0x93: {  	s2 =	sld [smem:$0x3FFC];
	_ =	sdelay $0x3  }
0x94: {  	_ =	strace s2  }
0x95: {  	s2 =	sld [smem:$0x3FFD];
	_ =	sdelay $0x3  }
0x96: {  	_ =	strace s2  }
0x97: {  	_ =	strace $0x8FFFFFFF  }
0x98: {  	s18 =	sld [smem:$0x3FDB];
	_ =	sdelay $0x1  }
0x99: {  	s19 =	simm.s32 $_scs_section_size  }
0x9a: {  	s4 =	simm.s32 $_size__tile_overlayer_lowered;
	s5 =	simm.s32 $_tile_overlayer_lowered  }
0x9b: {  	s22 =	simm.s32 $0x1BFF;
	s21 =	sshll.u32 s5, $0x1;
	s2 =	sadd.s32 s19, s18  }
0x9c: {  	s6 =	simm.s32 $0x0;
	s20 =	sshll.u32 s4, $0x1;
	s4 =	sadd.s32 s21, s2  }
0x9d: {  	[timem:s6], [sflag:s22] =	dma.local [hbm:s4], s20  }
0x9e: {  	_ =	swait.ge [sflag:s22], s20  }
0x9f: {  	s3 =	ssub.s32 $0x0, s20;
	[sflag:s22] =	ssyncset.done $0x0  }
0xa0: {  	[sflag:s22] =	ssyncadd.s32 s3;
	_ =	sdelay $0x1  }
0xa1: {  	s23 =	simm.s32 $0x1B8B  }
0xa2: {  	_ =	swait.ge [sflag:s23], $0x1  }
0xa3: {  	[sflag:s23] =	ssyncset.done $0x0  }
0xa4: {  	s25 =	simm.s32 $0x1B8E;
	s24 =	sld [smem:$0x3FFE];
	[sflag:s23] =	ssyncadd.s32 $0xFFFFFFFF  }
0xa5: {  	s26 =	simm.s32 $execute0_lowered;
	[smem:$0x3FD2] =	sst s25  }
0xa6: {  	s4 =	sshll.u32 s26, $0x1;
	_ =	strace $0x80000046;
	[dreg:$0x1] =	wrdreg $0xFFFFFFFF  }
0xa7: {  	s28 =	simm.s32 $_size_execute0_lowered;
	s2 =	sadd.s32 s2, s4;
	[dreg:$0x0] =	wrdreg $0x0  }
0xa8: {  	s4 =	sshll.u32 s28, $0x1;
	[dreg:$0x2] =	wrdreg s2  }
0xa9: {  	[dreg:$0x3] =	wrdreg s4  }
0xaa: {  	[dreg:$0x4] =	wrdreg $0xC0  }
0xab: {  	_ =	task [dreg:s6], $0x5FFFF  }
0xac: {  	[dreg:$0x1] =	wrdreg $0xFFFFFFFF  }
0xad: {  	[dreg:$0x0] =	wrdreg $0x60  }
0xae: {  	[dreg:$0x2] =	wrdreg s24  }
0xaf: {  	[dreg:$0x3] =	wrdreg $0x9  }
0xb0: {  	_ =	task.clear_ibuf [dreg:s6], $0x4FFFF;
	_ =	strace $0x90000046  }
0xb1: {  	s29 =	simm.s32 $0x9;
	_ =	strace $0x80000048  }
0xb2: {  	_ =	swait.ge [sflag:s29], $0x1  }
0xb3: {  	[sflag:s29] =	ssyncadd.s32 $0xFFFFFFFF  }
0xb4: {  	_ =	strace $0x90000048  }
0xb5: {  	_ =	sfence  }
0xb6: {  	s30 =	sld [smem:$0x0];
	_ =	sdelay $0x2  }
0xb7: {  	s31 =	sshll.u32 s1, $0xD;
	s1 =	sshrl.u32 s1, $0x2  }
0xb8: {  	s3 =	sand.u32 $0x4000, s31;
	s1 =	sadd.s32 s1, s30  }
0xb9: {  	s0 =	sor.u32 s3, s0;
	s1 =	sshll.u32 s1, $0x11  }
0xba: {  	s0 =	sor.u32 s1, s0  }
0xbb: {  	s0 =	sadd.s32 $0x8F2B, s0  }
0xbc: {  	[sflag:s0] =	ssyncadd.remote.s32 $0x1  }
0xbd: {  	_ =	sfence.sel $0xFFFF  }
0xbe: {  	[dreg:$0x0] =	wrdreg $0xFFFFFFFF;
	(pc) =	sbr.abs _section_cstart, $3  }
0xbf: {  	[dreg:$0x1] =	wrdreg $0xFFFFFFFF  }
0xc0: {  	_ =	task.clear_ibuf [dreg:s6], $0x2FFFF;
	_ =	strace $0x9FFFFFFF  }
0xc1: {  	(tm) =	ssettm $0x7FFFFFFF  }
tec
execute0_lowered:
.L_overlay_start_1:
0x0: {  	(tag) =	ssettag $0x1  }
0x1: {  	s6 =	rddreg [dreg:$0x0]  }
0x2: {  	s0 =	rddreg [dreg:$0x1]  }
0x3: {  	s2 =	simm.s32 $0x0;
	s1 =	stileid.u32;
	s4 =	srdreg.scid  }
0x4: {  	s13 =	simm.s32 $0x80;
	s14 =	simm.s32 $0x200;
	s15 =	simm.s32 $0x8200  }
0x5: {  	s16 =	simm.s32 $0x4200;
	s17 =	simm.s32 $0x180;
	s18 =	simm.s32 $0xC200  }
0x6: {  	s19 =	simm.s32 $0x1;
	s20 =	simm.s32 $0x2;
	s3 =	smul.u32 $0xA40, s1  }
0x7: {  	s21 =	simm.s32 $0x0;
	s8 =	smul.u32 $0x52000, s1;
	s5 =	sand.u32 $0x1, s4  }
0x8: {  	[smem:$0x7FF] =	sst s2;
	s4 =	sadd.s32 $0x3FE00, s6;
	s10 =	smul.u32 $0x29000, s5  }
0x9: {  	_ =	strace $0x80000047;
	s9 =	ssub.s32 $0x2, s5;
	s12 =	smul.u32 $0x520, s5  }
0xa: {  	s5 =	sadd.s32 $0x67E00, s6;
	s7 =	sadd.s32 s3, s6;
	s11 =	sshrl.u32 s9, $0x1  }
0xb: {  	s3 =	sadd.s32 $0x17E00, s6;
	s8 =	sadd.s32 s8, s6;
	s30 =	ssub.s32 s9, s11  }
0xc: {  	s8 =	sadd.s32 s10, s8;
	s31 =	sadd.s32 s12, s7;
	s11 =	simm.s32 $0x3  }
0xd: {  	s12 =	simm.s32 $0x100;
	s6 =	smax.u32 s30, $0x1;
	s7 =	sadd.s32 $0x8FE00, s8  }
0xe: {  	s8 =	sadd.s32 $0x5AFE00, s8;
	s9 =	sadd.s32 $0x3600, s31;
	s10 =	sadd.s32 $0xDA00, s31  }
.LBB2_1:
0xf: {  	s22 =	sadd.s32 $0x0, s9  }
0x10: {  	[tilespmem:s2], [sflag:$0x3] =	stream.linear.gather [hbm4b:s22+s2], $0x100, $0x38;
	[tilespmem:$0x10200] =	vst v63  }
0x11: {  	_ =	swait.ge [sflag:s11], $0x100  }
0x12: {  	[sflag:s11] =	ssyncset.done $0x0  }
0x13: {  	s31 =	sadd.s32 $0x0, s10;
	[sflag:s11] =	ssyncadd.s32 $0xFFFFFF00  }
0x14: {  	[tilespmem:s12], [sflag:$0x3] =	stream.linear.gather [hbm4b:s31+s2], $0x100, $0x38;
	[tilespmem:$0x10200] =	vst v63  }
0x15: {  	_ =	swait.ge [sflag:s11], $0x100  }
0x16: {  	[sflag:s11] =	ssyncset.done $0x0  }
0x17: {  	[sflag:s11] =	ssyncadd.s32 $0xFFFFFF00  }
0x18: {  	[tilespmem:s14], [sflag:$0x1] =	stream.indirect.gather [hbm4b:s3+s13], $0x80, s2, s13, $0xb8;
	[tilespmem:$0x10200] =	vst v63  }
0x19: {  	_ = 	snop  }
0x1a: {  	[tilespmem:s15], [sflag:$0x2] =	stream.indirect.gather [hbm4b:s5+s13], $0x80, s12, s13, $0xb8;
	[tilespmem:$0x10200] =	vst v63  }
0x1b: {  	_ = 	snop  }
0x1c: {  	[tilespmem:s16], [sflag:$0x1] =	stream.indirect.gather [hbm4b:s3+s13], $0x80, s13, s13, $0xb8;
	[tilespmem:$0x10200] =	vst v63  }
0x1d: {  	_ = 	snop  }
0x1e: {  	[tilespmem:s18], [sflag:$0x2] =	stream.indirect.gather [hbm4b:s5+s13], $0x80, s17, s13, $0xb8;
	[tilespmem:$0x10200] =	vst v63  }
0x1f: {  	_ =	swait.ge [sflag:s19], $0x4000  }
0x20: {  	[sflag:s19] =	ssyncset.done $0x0  }
0x21: {  	[sflag:s19] =	ssyncadd.s32 $0xFFFFC000  }
0x22: {  	_ =	swait.ge [sflag:s20], $0x4000  }
0x23: {  	[sflag:s20] =	ssyncset.done $0x0  }
0x24: {  	[sflag:s20] =	ssyncadd.s32 $0xFFFFC000  }
0x25: {  	_ =	swait.ge [sflag:s19], $0x4000  }
0x26: {  	[sflag:s19] =	ssyncset.done $0x0  }
0x27: {  	[sflag:s19] =	ssyncadd.s32 $0xFFFFC000  }
0x28: {  	_ =	swait.ge [sflag:s20], $0x4000  }
0x29: {  	[sflag:s20] =	ssyncset.done $0x0  }
0x2a: {  	[sflag:s20] =	ssyncadd.s32 $0xFFFFC000  }
0x2b: {  	[tilespmem:s14], [sflag:$0x1] =	stream.indirect.gather.add.f32 [hbm:s4], $0x80, s12, s13, $0xb8;
	[tilespmem:$0x10200] =	vst v63  }
0x2c: {  	_ = 	snop  }
0x2d: {  	[tilespmem:s16], [sflag:$0x1] =	stream.indirect.gather.add.f32 [hbm:s4], $0x80, s17, s13, $0xb8;
	[tilespmem:$0x10200] =	vst v63  }
0x2e: {  	_ = 	snop  }
0x2f: {  	[hbm4b:s8+s2] =	stream.linear.scatter [tilespmem:s15], [sflag:$0x3], $0x8000, $0x38;
	[tilespmem:$0x10200] =	vst v63  }
0x30: {  	_ =	swait.ge [sflag:s11], $0x8000  }
0x31: {  	[sflag:s11] =	ssyncset.done $0x0  }
0x32: {  	[sflag:s11] =	ssyncadd.s32 $0xFFFF8000  }
0x33: {  	_ =	swait.ge [sflag:s19], $0x4000  }
0x34: {  	[sflag:s19] =	ssyncset.done $0x0  }
0x35: {  	[sflag:s19] =	ssyncadd.s32 $0xFFFFC000  }
0x36: {  	_ =	swait.ge [sflag:s19], $0x4000  }
0x37: {  	[sflag:s19] =	ssyncset.done $0x0  }
0x38: {  	[sflag:s19] =	ssyncadd.s32 $0xFFFFC000  }
0x39: {  	[hbm4b:s7+s2] =	stream.linear.scatter [tilespmem:s14], [sflag:$0x3], $0x8000, $0x38;
	[tilespmem:$0x10200] =	vst v63  }
0x3a: {  	s24 =	simm.s32 $0x20;
	s26 =	simm.s32 $0x40;
	_ =	swait.ge [sflag:s11], $0x8000  }
0x3b: {  	s23 =	sadd.s32 $0x1000, s8;
	s22 =	sadd.s32 $0x1000, s7;
	[sflag:s11] =	ssyncset.done $0x0  }
.LBB2_2:
0x3c: {  	s28 =	sadd.s32 s24, s9  }
0x3d: {  	[sflag:s11] =	ssyncadd.s32 $0xFFFF8000;
	s29 =	smov.u32 s26;
	s25 =	sadd.s32 $0x20, s26  }
0x3e: {  	[tilespmem:s2], [sflag:$0x3] =	stream.linear.gather [hbm4b:s28+s2], $0x100, $0x38;
	[tilespmem:$0x10200] =	vst v63  }
0x3f: {  	p0 =	sne.s32 s26, $0x500;
	_ =	swait.ge [sflag:s11], $0x100  }
0x40: {  	[sflag:s11] =	ssyncset.done $0x0  }
0x41: {  	s26 =	sadd.s32 s24, s10;
	s24 =	smov.u32 s29;
	[sflag:s11] =	ssyncadd.s32 $0xFFFFFF00  }
0x42: {  	[tilespmem:s12], [sflag:$0x3] =	stream.linear.gather [hbm4b:s26+s2], $0x100, $0x38;
	[tilespmem:$0x10200] =	vst v63  }
0x43: {  	_ =	swait.ge [sflag:s11], $0x100  }
0x44: {  	[sflag:s11] =	ssyncset.done $0x0  }
0x45: {  	[sflag:s11] =	ssyncadd.s32 $0xFFFFFF00  }
0x46: {  	[tilespmem:s14], [sflag:$0x1] =	stream.indirect.gather [hbm4b:s3+s13], $0x80, s2, s13, $0xb8;
	[tilespmem:$0x10200] =	vst v63  }
0x47: {  	_ = 	snop  }
0x48: {  	[tilespmem:s15], [sflag:$0x2] =	stream.indirect.gather [hbm4b:s5+s13], $0x80, s12, s13, $0xb8;
	[tilespmem:$0x10200] =	vst v63  }
0x49: {  	_ = 	snop  }
0x4a: {  	[tilespmem:s16], [sflag:$0x1] =	stream.indirect.gather [hbm4b:s3+s13], $0x80, s13, s13, $0xb8;
	[tilespmem:$0x10200] =	vst v63  }
0x4b: {  	_ = 	snop  }
0x4c: {  	[tilespmem:s18], [sflag:$0x2] =	stream.indirect.gather [hbm4b:s5+s13], $0x80, s17, s13, $0xb8;
	[tilespmem:$0x10200] =	vst v63  }
0x4d: {  	_ =	swait.ge [sflag:s19], $0x4000  }
0x4e: {  	[sflag:s19] =	ssyncset.done $0x0  }
0x4f: {  	[sflag:s19] =	ssyncadd.s32 $0xFFFFC000  }
0x50: {  	_ =	swait.ge [sflag:s20], $0x4000  }
0x51: {  	[sflag:s20] =	ssyncset.done $0x0  }
0x52: {  	[sflag:s20] =	ssyncadd.s32 $0xFFFFC000  }
0x53: {  	_ =	swait.ge [sflag:s19], $0x4000  }
0x54: {  	[sflag:s19] =	ssyncset.done $0x0  }
0x55: {  	[sflag:s19] =	ssyncadd.s32 $0xFFFFC000  }
0x56: {  	_ =	swait.ge [sflag:s20], $0x4000  }
0x57: {  	[sflag:s20] =	ssyncset.done $0x0  }
0x58: {  	[sflag:s20] =	ssyncadd.s32 $0xFFFFC000  }
0x59: {  	[tilespmem:s14], [sflag:$0x1] =	stream.indirect.gather.add.f32 [hbm:s4], $0x80, s12, s13, $0xb8;
	[tilespmem:$0x10200] =	vst v63  }
0x5a: {  	_ = 	snop  }
0x5b: {  	[tilespmem:s16], [sflag:$0x1] =	stream.indirect.gather.add.f32 [hbm:s4], $0x80, s17, s13, $0xb8;
	[tilespmem:$0x10200] =	vst v63  }
0x5c: {  	_ = 	snop  }
0x5d: {  	[hbm4b:s23+s2] =	stream.linear.scatter [tilespmem:s15], [sflag:$0x3], $0x8000, $0x38;
	[tilespmem:$0x10200] =	vst v63  }
0x5e: {  	_ =	swait.ge [sflag:s11], $0x8000  }
0x5f: {  	[sflag:s11] =	ssyncset.done $0x0  }
0x60: {  	[sflag:s11] =	ssyncadd.s32 $0xFFFF8000  }
0x61: {  	_ =	swait.ge [sflag:s19], $0x4000  }
0x62: {  	[sflag:s19] =	ssyncset.done $0x0  }
0x63: {  	[sflag:s19] =	ssyncadd.s32 $0xFFFFC000  }
0x64: {  	_ =	swait.ge [sflag:s19], $0x4000  }
.Ltmp0:
0x65: {  	[sflag:s19] =	ssyncset.done $0x0;
	(pc) =	sbr.rel @p0 .LBB2_2-.Ltmp0, $4  }
0x66: {  	[sflag:s19] =	ssyncadd.s32 $0xFFFFC000  }
0x67: {  	[hbm4b:s22+s2] =	stream.linear.scatter [tilespmem:s14], [sflag:$0x3], $0x8000, $0x38;
	[tilespmem:$0x10200] =	vst v63  }
0x68: {  	s26 =	smov.u32 s25;
	_ =	swait.ge [sflag:s11], $0x8000  }
0x69: {  	s23 =	sadd.s32 $0x1000, s23;
	s22 =	sadd.s32 $0x1000, s22;
	[sflag:s11] =	ssyncset.done $0x0  }
0x6a: {  	s25 =	sadd.s32 s24, s9;
	[sflag:s11] =	ssyncadd.s32 $0xFFFF8000  }
0x6b: {  	[tilespmem:s2], [sflag:$0x3] =	stream.linear.gather [hbm4b:s25+s2], $0x100, $0x38;
	[tilespmem:$0x10200] =	vst v63  }
0x6c: {  	_ =	swait.ge [sflag:s11], $0x100  }
0x6d: {  	[sflag:s11] =	ssyncset.done $0x0  }
0x6e: {  	s31 =	sadd.s32 s24, s10;
	[sflag:s11] =	ssyncadd.s32 $0xFFFFFF00  }
0x6f: {  	[tilespmem:s12], [sflag:$0x3] =	stream.linear.gather [hbm4b:s31+s2], $0x100, $0x38;
	[tilespmem:$0x10200] =	vst v63  }
0x70: {  	_ =	swait.ge [sflag:s11], $0x100  }
0x71: {  	[sflag:s11] =	ssyncset.done $0x0  }
0x72: {  	[sflag:s11] =	ssyncadd.s32 $0xFFFFFF00  }
0x73: {  	[tilespmem:s14], [sflag:$0x1] =	stream.indirect.gather [hbm4b:s3+s13], $0x80, s2, s13, $0xb8;
	[tilespmem:$0x10200] =	vst v63  }
0x74: {  	_ = 	snop  }
0x75: {  	[tilespmem:s15], [sflag:$0x2] =	stream.indirect.gather [hbm4b:s5+s13], $0x80, s12, s13, $0xb8;
	[tilespmem:$0x10200] =	vst v63  }
0x76: {  	_ = 	snop  }
0x77: {  	[tilespmem:s16], [sflag:$0x1] =	stream.indirect.gather [hbm4b:s3+s13], $0x80, s13, s13, $0xb8;
	[tilespmem:$0x10200] =	vst v63  }
0x78: {  	_ = 	snop  }
0x79: {  	[tilespmem:s18], [sflag:$0x2] =	stream.indirect.gather [hbm4b:s5+s13], $0x80, s17, s13, $0xb8;
	[tilespmem:$0x10200] =	vst v63  }
0x7a: {  	_ =	swait.ge [sflag:s19], $0x4000  }
0x7b: {  	[sflag:s19] =	ssyncset.done $0x0  }
0x7c: {  	[sflag:s19] =	ssyncadd.s32 $0xFFFFC000  }
0x7d: {  	_ =	swait.ge [sflag:s20], $0x4000  }
0x7e: {  	[sflag:s20] =	ssyncset.done $0x0  }
0x7f: {  	[sflag:s20] =	ssyncadd.s32 $0xFFFFC000  }
0x80: {  	_ =	swait.ge [sflag:s19], $0x4000  }
0x81: {  	[sflag:s19] =	ssyncset.done $0x0  }
0x82: {  	[sflag:s19] =	ssyncadd.s32 $0xFFFFC000  }
0x83: {  	_ =	swait.ge [sflag:s20], $0x4000  }
0x84: {  	[sflag:s20] =	ssyncset.done $0x0  }
0x85: {  	[sflag:s20] =	ssyncadd.s32 $0xFFFFC000  }
0x86: {  	[tilespmem:s14], [sflag:$0x1] =	stream.indirect.gather.add.f32 [hbm:s4], $0x80, s12, s13, $0xb8;
	[tilespmem:$0x10200] =	vst v63  }
0x87: {  	_ = 	snop  }
0x88: {  	[tilespmem:s16], [sflag:$0x1] =	stream.indirect.gather.add.f32 [hbm:s4], $0x80, s17, s13, $0xb8;
	[tilespmem:$0x10200] =	vst v63  }
0x89: {  	_ = 	snop  }
0x8a: {  	[hbm4b:s23+s2] =	stream.linear.scatter [tilespmem:s15], [sflag:$0x3], $0x8000, $0x38;
	[tilespmem:$0x10200] =	vst v63  }
0x8b: {  	_ =	swait.ge [sflag:s11], $0x8000  }
0x8c: {  	[sflag:s11] =	ssyncset.done $0x0  }
0x8d: {  	[sflag:s11] =	ssyncadd.s32 $0xFFFF8000  }
0x8e: {  	_ =	swait.ge [sflag:s19], $0x4000  }
0x8f: {  	[sflag:s19] =	ssyncset.done $0x0  }
0x90: {  	[sflag:s19] =	ssyncadd.s32 $0xFFFFC000  }
0x91: {  	s21 =	sadd.s32 $0x1, s21;
	_ =	swait.ge [sflag:s19], $0x4000  }
0x92: {  	p0 =	sne.s32 s21, s6;
	[sflag:s19] =	ssyncset.done $0x0  }
.Ltmp1:
0x93: {  	[sflag:s19] =	ssyncadd.s32 $0xFFFFC000;
	(pc) =	sbr.rel @p0 .LBB2_1-.Ltmp1, $4  }
0x94: {  	[hbm4b:s22+s2] =	stream.linear.scatter [tilespmem:s14], [sflag:$0x3], $0x8000, $0x38;
	[tilespmem:$0x10200] =	vst v63  }
0x95: {  	_ =	swait.ge [sflag:s11], $0x8000  }
0x96: {  	[sflag:s11] =	ssyncset.done $0x0  }
0x97: {  	[sflag:s11] =	ssyncadd.s32 $0xFFFF8000  }
0x98: {  	_ =	sfence.sel $0x180000  }
0x99: {  	[bflag:$0x0] =	sbarrier.arrive $0xFFFF  }
0x9a: {  	p0 =	sne.s32 s1, $0x0;
	_ =	strace $0x90000047  }
0x9b: {  	s0 =	sadd.s32 @!p0 $0x100000, s0;
	[bflag:$0x2] =	sbarrier.arrive $0xFFFF  }
0x9c: {  	[sflag:s0] =	ssyncadd.tile.s32 @!p0 $0x1;
	_ =	shalt  }
.Lfunc_end2:
_tile_overlayer_lowered:
.L_overlay_start_2:
0x9d: {  	(tag) =	ssettag $0x2  }
0x9e: {  	s0 =	rddreg [dreg:$0x0];
	s2 =	stileid.u32  }
0x9f: {  	s1 =	rddreg [dreg:$0x1];
	p0 =	sne.s32 s2, $0x0  }
0xa0: {  	s3 =	rddreg [dreg:$0x2];
	[bflag:$0x3] =	sbarrier.arrive $0xFFFF;
	s2 =	simm.s32 @!p0 $0x1C03  }
0xa1: {  	[timem:s3], [sflag:s2] =	dma.local @!p0 [hbm:s0], s1  }
0xa2: {  	s0 =	simm.s32 @!p0 $0x3  }
0xa3: {  	_ =	swait.ge @!p0 [sflag:s0], s1  }
0xa4: {  	s1 =	ssub.s32 @!p0 $0x0, s1;
	[sflag:s0] =	ssyncset.done @!p0 $0x0  }
0xa5: {  	[sflag:s0] =	ssyncadd.s32 @!p0 s1  }
0xa6: {  	[bflag:$0x3] =	sbarrier.arrive $0xFFFF  }
0xa7: {  	_ =	shalt  }

</sc_bundles>
